<compile_context>
chip_gen: v7x
topology: tpu7x:2x2x1
jax: 0.10.2.dev20260603
libtpu: 0.0.44.dev20260713+nightly
codegen_flags: <defaults>
</compile_context>

<pallas_src>
import functools

import jax
import jax.numpy as jnp
from jax import lax
from jax.experimental import pallas as pl
from jax.experimental.pallas import tpu as pltpu
from jax.experimental.pallas import tpu_sc as plsc

N = 10000
E = 320000
D = 128
WPAD = 144
PPAD = 16
NC = 2
NS = 16
NW = NC * NS
EW = E // NW
CBW = 40
CBN = 40
EP = 10000
NACCP = 10000
ROWB = 1000
RPT = N // NS
DB = 2000

_HI = jax.lax.Precision.HIGHEST


def _dot(a, b):
    return jax.lax.dot_general(a, b, (((1,), (0,)), ((), ())),
                               precision=_HI, preferred_element_type=jnp.float32)


def _dotT(a, w):
    return jax.lax.dot_general(a, w, (((1,), (1,)), ((), ())),
                               precision=_HI, preferred_element_type=jnp.float32)


def _dotTl(w, b):
    return jax.lax.dot_general(w, b, (((0,), (0,)), ((), ())),
                               precision=_HI, preferred_element_type=jnp.float32)


def _k1_body(x_ref, o_ref):
    x = x_ref[...]
    nrm = jnp.sqrt(jnp.sum(x * x, axis=1, keepdims=True))
    xn = x / jnp.maximum(nrm, 1e-12)
    ones = jnp.ones((x.shape[0], 1), jnp.float32)
    zeros = jnp.zeros((x.shape[0], WPAD - D - 1), jnp.float32)
    o_ref[...] = jnp.concatenate([xn, ones, zeros], axis=1)


_k1 = pl.pallas_call(
    _k1_body,
    grid=(N // ROWB,),
    in_specs=[pl.BlockSpec((ROWB, D), lambda i: (i, 0))],
    out_specs=pl.BlockSpec((ROWB, WPAD), lambda i: (i, 0)),
    out_shape=jax.ShapeDtypeStruct((N, WPAD), jnp.float32),
)


def _make_segsum(width, cb, ep, nacc):
    nch = ep // cb
    assert nch % 2 == 0 and (cb * 4) % 32 == 0
    rpta = nacc // NS
    mesh = plsc.VectorSubcoreMesh(core_axis_name="c", subcore_axis_name="s")

    @functools.partial(
        pl.kernel,
        out_type=jax.ShapeDtypeStruct((NC, nacc, width), jnp.float32),
        mesh=mesh,
        compiler_params=pltpu.CompilerParams(use_tc_tiling_on_sc=False),
        scratch_types=[
            pltpu.VMEM((nch, cb), jnp.int32),
            pltpu.VMEM((nch, cb), jnp.int32),
            pltpu.VMEM((cb, width), jnp.float32),
            pltpu.VMEM((cb, width), jnp.float32),
            pltpu.VMEM_SHARED((nacc, width), jnp.float32),
            pltpu.SemaphoreType.DMA,
            pltpu.SemaphoreType.DMA,
        ],
    )
    def k(tab_hbm, src_hbm, dst_hbm, zero_hbm, out_hbm,
          sidx, didx, rows0, rows1, acc, g0, g1):
        cid = lax.axis_index("c")
        sid = lax.axis_index("s")
        wid = sid * NC + cid
        r0 = sid * rpta
        pltpu.sync_copy(zero_hbm.at[pl.ds(r0, rpta)], acc.at[pl.ds(r0, rpta)])
        pltpu.sync_copy(src_hbm.at[wid], sidx)
        pltpu.sync_copy(dst_hbm.at[wid], didx)
        plsc.subcore_barrier()

        def gather(c, buf, sem):
            pltpu.make_async_copy(tab_hbm.at[sidx.at[c]], buf, sem).start()

        def gwait(buf, sem):
            pltpu.make_async_copy(tab_hbm.at[sidx.at[0]], buf, sem).wait()

        def scat(c, buf):
            pltpu.sync_copy(buf, acc.at[didx.at[c]], add=True)

        gather(0, rows0, g0)
        gather(1, rows1, g1)

        def body(j, carry):
            c = 2 * j
            gwait(rows0, g0)
            scat(c, rows0)
            gather(jnp.minimum(c + 2, nch - 1), rows0, g0)
            gwait(rows1, g1)
            scat(c + 1, rows1)
            gather(jnp.minimum(c + 3, nch - 1), rows1, g1)
            return carry

        lax.fori_loop(0, nch // 2, body, 0)
        gwait(rows1, g1)
        gwait(rows0, g0)
        plsc.subcore_barrier()
        pltpu.sync_copy(acc.at[pl.ds(r0, rpta)], out_hbm.at[cid, pl.ds(r0, rpta)])

    return k


_seg144 = _make_segsum(WPAD, CBW, EW, N)
_seg16 = _make_segsum(PPAD, CBN, EP, NACCP)


def _k3_body(P_ref, xn_ref, W1l_ref, b1l_ref, W1r_ref, W2l_ref, b2l_ref,
             W2r_ref, wst_ref, blin_ref, p_ref, meta_ref):
    P = P_ref[...]
    Msum = P[0] + P[1]
    degc = jnp.maximum(Msum[:, D:D + 1], 1.0)
    agg = Msum[:, :D] / degc
    xn = xn_ref[:, :D]
    h = jnp.maximum(_dotT(agg, W1l_ref[...]) + b1l_ref[...]
                    + _dotT(xn, W1r_ref[...]), 0.0)
    wst = wst_ref[...]
    B1 = _dotTl(W2l_ref[...], wst)
    B2 = _dotTl(W2r_ref[...], wst)
    c2 = _dot(b2l_ref[...], wst)
    p2 = _dot(h, B1)
    t2 = _dot(h, B2) + c2
    m = p2.shape[0]
    p_ref[...] = jnp.concatenate(
        [p2, jnp.zeros((m, PPAD - 2), jnp.float32)], axis=1)
    meta_ref[...] = jnp.concatenate(
        [t2[:, 0:1] + blin_ref[0, 0], t2[:, 1:2], degc,
         jnp.zeros((m, 5), jnp.float32)], axis=1)


_k3 = pl.pallas_call(
    _k3_body,
    grid=(N // ROWB,),
    in_specs=[
        pl.BlockSpec((NC, ROWB, WPAD), lambda i: (0, i, 0)),
        pl.BlockSpec((ROWB, WPAD), lambda i: (i, 0)),
        pl.BlockSpec((D, D), lambda i: (0, 0)),
        pl.BlockSpec((1, D), lambda i: (0, 0)),
        pl.BlockSpec((D, D), lambda i: (0, 0)),
        pl.BlockSpec((D, D), lambda i: (0, 0)),
        pl.BlockSpec((1, D), lambda i: (0, 0)),
        pl.BlockSpec((D, D), lambda i: (0, 0)),
        pl.BlockSpec((D, 2), lambda i: (0, 0)),
        pl.BlockSpec((1, 1), lambda i: (0, 0)),
    ],
    out_specs=[
        pl.BlockSpec((ROWB, PPAD), lambda i: (i, 0)),
        pl.BlockSpec((ROWB, 8), lambda i: (i, 0)),
    ],
    out_shape=[
        jax.ShapeDtypeStruct((N, PPAD), jnp.float32),
        jax.ShapeDtypeStruct((N, 8), jnp.float32),
    ],
)


def _make_decode():
    mesh = plsc.VectorSubcoreMesh(core_axis_name="c", subcore_axis_name="s")

    @functools.partial(
        pl.kernel,
        out_type=jax.ShapeDtypeStruct((E,), jnp.float32),
        mesh=mesh,
        compiler_params=pltpu.CompilerParams(use_tc_tiling_on_sc=False,
                                             needs_layout_passes=False),
        scratch_types=[
            pltpu.VMEM((RPT, PPAD), jnp.float32),
            pltpu.VMEM((RPT, PPAD), jnp.float32),
            pltpu.VMEM((RPT, 8), jnp.float32),
            pltpu.VMEM((RPT, 8), jnp.float32),
            pltpu.VMEM_SHARED((N, 8), jnp.float32),
            pltpu.VMEM((N, 8), jnp.float32),
            pltpu.VMEM((DB,), jnp.int32),
            pltpu.VMEM((DB,), jnp.int32),
            pltpu.VMEM((DB,), jnp.float32),
        ],
    )
    def k(S_hbm, meta_hbm, src_hbm, dst_hbm, out_hbm,
          s0v, s1v, metav, absl, absh, abv, sv, dv, ov):
        cid = lax.axis_index("c")
        sid = lax.axis_index("s")
        wid = sid * NC + cid
        base = wid * EW
        r0 = sid * RPT
        col0 = jnp.zeros((16,), jnp.int32)
        col1 = jnp.ones((16,), jnp.int32)
        col2 = col1 + col1
        pltpu.sync_copy(S_hbm.at[0, pl.ds(r0, RPT)], s0v)
        pltpu.sync_copy(S_hbm.at[1, pl.ds(r0, RPT)], s1v)
        pltpu.sync_copy(meta_hbm.at[pl.ds(r0, RPT)], metav)
        riota = lax.iota(jnp.int32, 16)

        def cbody(i, carry):
            r16 = jnp.minimum(i * 16, RPT - 16) + riota
            sa = (plsc.load_gather(s0v, [r16, col0])
                  + plsc.load_gather(s1v, [r16, col0]))
            sb = (plsc.load_gather(s0v, [r16, col1])
                  + plsc.load_gather(s1v, [r16, col1]))
            ta = plsc.load_gather(metav, [r16, col0])
            tb = plsc.load_gather(metav, [r16, col1])
            dg = plsc.load_gather(metav, [r16, col2])
            plsc.store_scatter(absl, [r16, col0], sa / dg + ta)
            plsc.store_scatter(absl, [r16, col1], sb / dg + tb)
            return carry

        lax.fori_loop(0, (RPT + 15) // 16, cbody, 0)
        pltpu.sync_copy(absl, absh.at[pl.ds(r0, RPT)])
        plsc.subcore_barrier()
        pltpu.sync_copy(absh, abv)
        for j in range(EW // DB):
            off = base + j * DB
            pltpu.sync_copy(src_hbm.at[pl.ds(off, DB)], sv)
            pltpu.sync_copy(dst_hbm.at[pl.ds(off, DB)], dv)

            def body(i, carry):
                s16 = sv[pl.ds(i * 16, 16)]
                d16 = dv[pl.ds(i * 16, 16)]
                av = plsc.load_gather(abv, [s16, col0])
                bv = plsc.load_gather(abv, [d16, col1])
                t = av + bv
                ov[pl.ds(i * 16, 16)] = 1.0 / (1.0 + jnp.exp(-t))
                return carry

            lax.fori_loop(0, DB // 16, body, 0)
            pltpu.sync_copy(ov, out_hbm.at[pl.ds(off, DB)])

    return k


_decode = _make_decode()


def kernel(x, edge_index, W1l, b1l, W1r, W2l, b2l, W2r, Wlin, blin):
    src = edge_index[0]
    dst = edge_index[1]
    xn_pad = _k1(x)
    zeros_w = jnp.zeros((N, WPAD), jnp.float32)
    zeros_p = jnp.zeros((NACCP, PPAD), jnp.float32)
    P = _seg144(xn_pad, src.reshape(NW, EW // CBW, CBW),
                dst.reshape(NW, EW // CBW, CBW), zeros_w)
    wst = jnp.transpose(Wlin.reshape(2, D))
    p_pad, meta = _k3(P, xn_pad, W1l, b1l.reshape(1, D), W1r, W2l,
                      b2l.reshape(1, D), W2r, wst, blin.reshape(1, 1))
    pad_s = jnp.zeros((NW, EP - EW), jnp.int32)
    pad_d = jnp.broadcast_to(
        (N + jnp.arange(NW, dtype=jnp.int32))[:, None], (NW, EP - EW))
    srcp = jnp.concatenate([src.reshape(NW, EW), pad_s], axis=1)
    dstp = jnp.concatenate([dst.reshape(NW, EW), pad_d], axis=1)
    S = _seg16(p_pad, srcp.reshape(NW, EP // CBN, CBN),
               dstp.reshape(NW, EP // CBN, CBN), zeros_p)
    out = _decode(S, meta, src, dst)
    return out.reshape(E, 1)

# --- scband reference (transcript-rebuilt; emitter-appended) ---
"""Pipeline reference for scband-directed-edge-prediction-model-38929583571366 (READ-ONLY COPY).

The authoritative reference and input builder live on the scoring server;
editing this copy changes nothing except your own understanding.
"""

import jax, jax.numpy as jnp
import numpy as np

N = 10000
E = 320000
DIN = 128
DH = 128
DOUT = 128


def setup_inputs(seed: int = 0) -> dict:
    key = jax.random.key(seed)
    ks = jax.random.split(key, 10)
    x = jax.random.normal(ks[0], (N, DIN), dtype=jnp.float32)
    edge_index = jax.random.randint(ks[1], (2, E), 0, N, dtype=jnp.int32)
    s1 = 1.0 / np.sqrt(DIN)
    s2 = 1.0 / np.sqrt(DH)
    s3 = 1.0 / np.sqrt(2 * DOUT)
    W1l = jax.random.normal(ks[2], (DH, DIN), dtype=jnp.float32) * s1
    b1l = jnp.zeros((DH,), dtype=jnp.float32)
    W1r = jax.random.normal(ks[3], (DH, DIN), dtype=jnp.float32) * s1
    W2l = jax.random.normal(ks[4], (DOUT, DH), dtype=jnp.float32) * s2
    b2l = jnp.zeros((DOUT,), dtype=jnp.float32)
    W2r = jax.random.normal(ks[5], (DOUT, DH), dtype=jnp.float32) * s2
    Wlin = jax.random.normal(ks[6], (1, 2 * DOUT), dtype=jnp.float32) * s3
    blin = jnp.zeros((1,), dtype=jnp.float32)
    return {"x": x, "edge_index": edge_index, "W1l": W1l, "b1l": b1l, "W1r": W1r,
            "W2l": W2l, "b2l": b2l, "W2r": W2r, "Wlin": Wlin, "blin": blin}


def _normalize(x):
    n = jnp.linalg.norm(x, axis=1, keepdims=True)
    return x / jnp.maximum(n, 1e-12)


def _sage(x, src, dst, Wl, bl, Wr, n):
    # PyG SAGEConv (aggr='mean'): out = lin_l(mean_j x_j) + lin_r(x_i)
    msgs = jnp.take(x, src, axis=0)
    agg = jax.ops.segment_sum(msgs, dst, num_segments=n)
    cnt = jax.ops.segment_sum(jnp.ones((src.shape[0], 1), x.dtype), dst, num_segments=n)
    agg = agg / jnp.maximum(cnt, 1.0)
    return agg @ Wl.T + bl + x @ Wr.T


def reference(x, edge_index, W1l, b1l, W1r, W2l, b2l, W2r, Wlin, blin):
    src = edge_index[0]
    dst = edge_index[1]
    n = x.shape[0]
    # encode
    xn = _normalize(x)
    h = jax.nn.relu(_sage(xn, src, dst, W1l, b1l, W1r, n))
    z = _sage(h, src, dst, W2l, b2l, W2r, n)
    # decode
    zsrc = jnp.take(z, src, axis=0)
    zdst = jnp.take(z, dst, axis=0)
    e = jnp.concatenate([zsrc, zdst], axis=-1)
    logit = e @ Wlin.T + blin
    return jax.nn.sigmoid(logit)

if __name__ == "__main__":
    import jax
    _d = setup_inputs()
    print(jax.jit(kernel)(*tuple(_d.values())))

</pallas_src>

<mosaic_0001>
#map = affine_map<(d0, d1) -> (0, 0, 0)>
#map1 = affine_map<(d0, d1) -> (0, 0)>
#map2 = affine_map<(d0, d1) -> (0)>
module attributes {stable_mosaic.version = 14 : i64} {
  func.func @k(%arg0: i32, %arg1: i32, %arg2: memref<2x10000x16xf32, #tpu.memory_space<hbm>>, %arg3: memref<10000x8xf32, #tpu.memory_space<hbm>>, %arg4: memref<320000xi32, #tpu.memory_space<hbm>>, %arg5: memref<320000xi32, #tpu.memory_space<hbm>>, %arg6: memref<320000xf32, #tpu.memory_space<hbm>>, %arg7: memref<625x16xf32, #tpu.memory_space<vmem>>, %arg8: memref<625x16xf32, #tpu.memory_space<vmem>>, %arg9: memref<625x8xf32, #tpu.memory_space<vmem>>, %arg10: memref<625x8xf32, #tpu.memory_space<vmem>>, %arg11: memref<10000x8xf32, #tpu.memory_space<vmem_shared>>, %arg12: memref<10000x8xf32, #tpu.memory_space<vmem>>, %arg13: memref<2000xi32, #tpu.memory_space<vmem>>, %arg14: memref<2000xi32, #tpu.memory_space<vmem>>, %arg15: memref<2000xf32, #tpu.memory_space<vmem>>) attributes {dimension_semantics = [#tpu.dimension_semantics<core_parallel>, #tpu.dimension_semantics<subcore_parallel>], iteration_bounds = array<i64: 2, 16>, scalar_prefetch = 0 : i64, scratch_operands = 9 : i64, tpu.core_type = #tpu.core_type<sc_vector_subcore>, window_params = [{transform_indices = #map}, {transform_indices = #map1}, {transform_indices = #map2}, {transform_indices = #map2}, {transform_indices = #map2}]} {
    %mul3A = arith.constant 2 : i32
    %mul3A_0 = arith.muli %arg1, %mul3A : i32
    %add3A = arith.addi %mul3A_0, %arg0 : i32
    %mul3A_1 = arith.constant 10000 : i32
    %mul3A_2 = arith.muli %add3A, %mul3A_1 : i32
    %mul3A_3 = arith.constant 625 : i32
    %mul3A_4 = arith.muli %arg1, %mul3A_3 : i32
    %broadcast_in_dim3A = arith.constant 0 : i32
    %broadcast_in_dim3A_5 = vector.broadcast %broadcast_in_dim3A : i32 to vector<16xi32>
    %broadcast_in_dim3A_6 = arith.constant 1 : i32
    %broadcast_in_dim3A_7 = vector.broadcast %broadcast_in_dim3A_6 : i32 to vector<16xi32>
    %add3A_8 = arith.addi %broadcast_in_dim3A_7, %broadcast_in_dim3A_7 : vector<16xi32>
    %run_scoped3A = arith.constant 0 : i32
    "tpu.region"() ({
      %run_scoped3A_55 = tpu.sem_alloc : memref<!tpu.dma_semaphore, #tpu.memory_space<semaphore_mem>>
      %dma_start3A = arith.constant 0 : i32
      %dma_start3A_56 = tpu.memref_slice %arg2[%run_scoped3A, %mul3A_4, %dma_start3A] : memref<2x10000x16xf32, #tpu.memory_space<hbm>> -> memref<1x625x16xf32, #tpu.memory_space<hbm>>
      %dma_start3A_57 = tpu.memref_squeeze %dma_start3A_56 : memref<1x625x16xf32, #tpu.memory_space<hbm>> -> memref<625x16xf32, #tpu.memory_space<hbm>>
      %dma_start3A_58 = arith.constant 0 : i32
      %dma_start3A_59 = tpu.memref_slice %arg2[%run_scoped3A, %mul3A_4, %dma_start3A_58] : memref<2x10000x16xf32, #tpu.memory_space<hbm>> -> memref<1x625x16xf32, #tpu.memory_space<hbm>>
      %dma_start3A_60 = tpu.memref_squeeze %dma_start3A_59 : memref<1x625x16xf32, #tpu.memory_space<hbm>> -> memref<625x16xf32, #tpu.memory_space<hbm>>
      tpu.enqueue_dma source(%dma_start3A_60 : memref<625x16xf32, #tpu.memory_space<hbm>>) target(%arg7 : memref<625x16xf32, #tpu.memory_space<vmem>>) target_semaphore(%run_scoped3A_55 : memref<!tpu.dma_semaphore, #tpu.memory_space<semaphore_mem>>)
      %dma_wait3A = arith.constant 0 : i32
      %dma_wait3A_61 = tpu.memref_slice %arg2[%run_scoped3A, %mul3A_4, %dma_wait3A] : memref<2x10000x16xf32, #tpu.memory_space<hbm>> -> memref<1x625x16xf32, #tpu.memory_space<hbm>>
      %dma_wait3A_62 = tpu.memref_squeeze %dma_wait3A_61 : memref<1x625x16xf32, #tpu.memory_space<hbm>> -> memref<625x16xf32, #tpu.memory_space<hbm>>
      %dma_wait3A_63 = arith.constant 0 : i32
      %dma_wait3A_64 = tpu.memref_slice %arg2[%run_scoped3A, %mul3A_4, %dma_wait3A_63] : memref<2x10000x16xf32, #tpu.memory_space<hbm>> -> memref<1x625x16xf32, #tpu.memory_space<hbm>>
      %dma_wait3A_65 = tpu.memref_squeeze %dma_wait3A_64 : memref<1x625x16xf32, #tpu.memory_space<hbm>> -> memref<625x16xf32, #tpu.memory_space<hbm>>
      tpu.wait_dma2 semaphore(%run_scoped3A_55 : memref<!tpu.dma_semaphore, #tpu.memory_space<semaphore_mem>>) src(%dma_wait3A_65 : memref<625x16xf32, #tpu.memory_space<hbm>>) dst(%arg7 : memref<625x16xf32, #tpu.memory_space<vmem>>)
      tpu.yield
    }) : () -> ()
    %run_scoped3A_9 = arith.constant 1 : i32
    "tpu.region"() ({
      %run_scoped3A_55 = tpu.sem_alloc : memref<!tpu.dma_semaphore, #tpu.memory_space<semaphore_mem>>
      %dma_start3A = arith.constant 0 : i32
      %dma_start3A_56 = tpu.memref_slice %arg2[%run_scoped3A_9, %mul3A_4, %dma_start3A] : memref<2x10000x16xf32, #tpu.memory_space<hbm>> -> memref<1x625x16xf32, #tpu.memory_space<hbm>>
      %dma_start3A_57 = tpu.memref_squeeze %dma_start3A_56 : memref<1x625x16xf32, #tpu.memory_space<hbm>> -> memref<625x16xf32, #tpu.memory_space<hbm>>
      %dma_start3A_58 = arith.constant 0 : i32
      %dma_start3A_59 = tpu.memref_slice %arg2[%run_scoped3A_9, %mul3A_4, %dma_start3A_58] : memref<2x10000x16xf32, #tpu.memory_space<hbm>> -> memref<1x625x16xf32, #tpu.memory_space<hbm>>
      %dma_start3A_60 = tpu.memref_squeeze %dma_start3A_59 : memref<1x625x16xf32, #tpu.memory_space<hbm>> -> memref<625x16xf32, #tpu.memory_space<hbm>>
      tpu.enqueue_dma source(%dma_start3A_60 : memref<625x16xf32, #tpu.memory_space<hbm>>) target(%arg8 : memref<625x16xf32, #tpu.memory_space<vmem>>) target_semaphore(%run_scoped3A_55 : memref<!tpu.dma_semaphore, #tpu.memory_space<semaphore_mem>>)
      %dma_wait3A = arith.constant 0 : i32
      %dma_wait3A_61 = tpu.memref_slice %arg2[%run_scoped3A_9, %mul3A_4, %dma_wait3A] : memref<2x10000x16xf32, #tpu.memory_space<hbm>> -> memref<1x625x16xf32, #tpu.memory_space<hbm>>
      %dma_wait3A_62 = tpu.memref_squeeze %dma_wait3A_61 : memref<1x625x16xf32, #tpu.memory_space<hbm>> -> memref<625x16xf32, #tpu.memory_space<hbm>>
      %dma_wait3A_63 = arith.constant 0 : i32
      %dma_wait3A_64 = tpu.memref_slice %arg2[%run_scoped3A_9, %mul3A_4, %dma_wait3A_63] : memref<2x10000x16xf32, #tpu.memory_space<hbm>> -> memref<1x625x16xf32, #tpu.memory_space<hbm>>
      %dma_wait3A_65 = tpu.memref_squeeze %dma_wait3A_64 : memref<1x625x16xf32, #tpu.memory_space<hbm>> -> memref<625x16xf32, #tpu.memory_space<hbm>>
      tpu.wait_dma2 semaphore(%run_scoped3A_55 : memref<!tpu.dma_semaphore, #tpu.memory_space<semaphore_mem>>) src(%dma_wait3A_65 : memref<625x16xf32, #tpu.memory_space<hbm>>) dst(%arg8 : memref<625x16xf32, #tpu.memory_space<vmem>>)
      tpu.yield
    }) : () -> ()
    "tpu.region"() ({
      %run_scoped3A_55 = tpu.sem_alloc : memref<!tpu.dma_semaphore, #tpu.memory_space<semaphore_mem>>
      %dma_start3A = arith.constant 0 : i32
      %dma_start3A_56 = tpu.memref_slice %arg3[%mul3A_4, %dma_start3A] : memref<10000x8xf32, #tpu.memory_space<hbm>> -> memref<625x8xf32, #tpu.memory_space<hbm>>
      %dma_start3A_57 = arith.constant 0 : i32
      %dma_start3A_58 = tpu.memref_slice %arg3[%mul3A_4, %dma_start3A_57] : memref<10000x8xf32, #tpu.memory_space<hbm>> -> memref<625x8xf32, #tpu.memory_space<hbm>>
      tpu.enqueue_dma source(%dma_start3A_58 : memref<625x8xf32, #tpu.memory_space<hbm>>) target(%arg9 : memref<625x8xf32, #tpu.memory_space<vmem>>) target_semaphore(%run_scoped3A_55 : memref<!tpu.dma_semaphore, #tpu.memory_space<semaphore_mem>>)
      %dma_wait3A = arith.constant 0 : i32
      %dma_wait3A_59 = tpu.memref_slice %arg3[%mul3A_4, %dma_wait3A] : memref<10000x8xf32, #tpu.memory_space<hbm>> -> memref<625x8xf32, #tpu.memory_space<hbm>>
      %dma_wait3A_60 = arith.constant 0 : i32
      %dma_wait3A_61 = tpu.memref_slice %arg3[%mul3A_4, %dma_wait3A_60] : memref<10000x8xf32, #tpu.memory_space<hbm>> -> memref<625x8xf32, #tpu.memory_space<hbm>>
      tpu.wait_dma2 semaphore(%run_scoped3A_55 : memref<!tpu.dma_semaphore, #tpu.memory_space<semaphore_mem>>) src(%dma_wait3A_61 : memref<625x8xf32, #tpu.memory_space<hbm>>) dst(%arg9 : memref<625x8xf32, #tpu.memory_space<vmem>>)
      tpu.yield
    }) : () -> ()
    %iota3A = tpu.iota {dimensions = array<i32: 0>} : vector<16xi32>
    %scan3A = arith.constant 0 : i32
    %scan3A_10 = arith.constant 0 : i32
    %scan3A_11 = arith.constant 40 : i32
    %scan3A_12 = arith.addi %scan3A_10, %scan3A_11 : i32
    %scan3A_13 = arith.constant 1 : i32
    scf.for %scan3A_55 = %scan3A_10 to %scan3A_12 step %scan3A_13  : i32 {
      %mul3A_56 = arith.constant 16 : i32
      %mul3A_57 = arith.muli %scan3A_55, %mul3A_56 : i32
      %min3A = arith.constant 609 : i32
      %min3A_58 = arith.minsi %mul3A_57, %min3A : i32
      %add3A_59 = vector.broadcast %min3A_58 : i32 to vector<16xi32>
      %add3A_60 = arith.addi %add3A_59, %iota3A : vector<16xi32>
      %gather3A = tpu.vector_load_idx %arg7[%add3A_60, %broadcast_in_dim3A_5] : memref<625x16xf32, #tpu.memory_space<vmem>>[vector<16xi32>, vector<16xi32>], vector<16xf32>,
      %gather3A_61 = tpu.vector_load_idx %arg8[%add3A_60, %broadcast_in_dim3A_5] : memref<625x16xf32, #tpu.memory_space<vmem>>[vector<16xi32>, vector<16xi32>], vector<16xf32>,
      %add3A_62 = arith.addf %gather3A, %gather3A_61 : vector<16xf32>
      %gather3A_63 = tpu.vector_load_idx %arg7[%add3A_60, %broadcast_in_dim3A_7] : memref<625x16xf32, #tpu.memory_space<vmem>>[vector<16xi32>, vector<16xi32>], vector<16xf32>,
      %gather3A_64 = tpu.vector_load_idx %arg8[%add3A_60, %broadcast_in_dim3A_7] : memref<625x16xf32, #tpu.memory_space<vmem>>[vector<16xi32>, vector<16xi32>], vector<16xf32>,
      %add3A_65 = arith.addf %gather3A_63, %gather3A_64 : vector<16xf32>
      %gather3A_66 = tpu.vector_load_idx %arg9[%add3A_60, %broadcast_in_dim3A_5] : memref<625x8xf32, #tpu.memory_space<vmem>>[vector<16xi32>, vector<16xi32>], vector<16xf32>,
      %gather3A_67 = tpu.vector_load_idx %arg9[%add3A_60, %broadcast_in_dim3A_7] : memref<625x8xf32, #tpu.memory_space<vmem>>[vector<16xi32>, vector<16xi32>], vector<16xf32>,
      %gather3A_68 = tpu.vector_load_idx %arg9[%add3A_60, %add3A_8] : memref<625x8xf32, #tpu.memory_space<vmem>>[vector<16xi32>, vector<16xi32>], vector<16xf32>,
      %div3A = arith.divf %add3A_62, %gather3A_68 : vector<16xf32>
      %add3A_69 = arith.addf %div3A, %gather3A_66 : vector<16xf32>
      tpu.vector_store_idx %arg10[%add3A_60, %broadcast_in_dim3A_5], %add3A_69 : memref<625x8xf32, #tpu.memory_space<vmem>>[vector<16xi32>, vector<16xi32>], vector<16xf32>,
      %div3A_70 = arith.divf %add3A_65, %gather3A_68 : vector<16xf32>
      %add3A_71 = arith.addf %div3A_70, %gather3A_67 : vector<16xf32>
      tpu.vector_store_idx %arg10[%add3A_60, %broadcast_in_dim3A_7], %add3A_71 : memref<625x8xf32, #tpu.memory_space<vmem>>[vector<16xi32>, vector<16xi32>], vector<16xf32>,
    }
    %scan3A_14 = arith.constant 40 : i32
    "tpu.region"() ({
      %run_scoped3A_55 = tpu.sem_alloc : memref<!tpu.dma_semaphore, #tpu.memory_space<semaphore_mem>>
      %dma_start3A = arith.constant 0 : i32
      %dma_start3A_56 = tpu.memref_slice %arg11[%mul3A_4, %dma_start3A] : memref<10000x8xf32, #tpu.memory_space<vmem_shared>> -> memref<625x8xf32, #tpu.memory_space<vmem_shared>>
      %dma_start3A_57 = arith.constant 0 : i32
      %dma_start3A_58 = tpu.memref_slice %arg11[%mul3A_4, %dma_start3A_57] : memref<10000x8xf32, #tpu.memory_space<vmem_shared>> -> memref<625x8xf32, #tpu.memory_space<vmem_shared>>
      tpu.enqueue_dma source(%arg10 : memref<625x8xf32, #tpu.memory_space<vmem>>) target(%dma_start3A_58 : memref<625x8xf32, #tpu.memory_space<vmem_shared>>) target_semaphore(%run_scoped3A_55 : memref<!tpu.dma_semaphore, #tpu.memory_space<semaphore_mem>>)
      %dma_wait3A = arith.constant 0 : i32
      %dma_wait3A_59 = tpu.memref_slice %arg11[%mul3A_4, %dma_wait3A] : memref<10000x8xf32, #tpu.memory_space<vmem_shared>> -> memref<625x8xf32, #tpu.memory_space<vmem_shared>>
      %dma_wait3A_60 = arith.constant 0 : i32
      %dma_wait3A_61 = tpu.memref_slice %arg11[%mul3A_4, %dma_wait3A_60] : memref<10000x8xf32, #tpu.memory_space<vmem_shared>> -> memref<625x8xf32, #tpu.memory_space<vmem_shared>>
      tpu.wait_dma2 semaphore(%run_scoped3A_55 : memref<!tpu.dma_semaphore, #tpu.memory_space<semaphore_mem>>) src(%arg10 : memref<625x8xf32, #tpu.memory_space<vmem>>) dst(%dma_wait3A_61 : memref<625x8xf32, #tpu.memory_space<vmem_shared>>)
      tpu.yield
    }) : () -> ()
    %barrier3A = arith.constant 0 : index
    tpu.barrier barrier_id(%barrier3A)
    "tpu.region"() ({
      %run_scoped3A_55 = tpu.sem_alloc : memref<!tpu.dma_semaphore, #tpu.memory_space<semaphore_mem>>
      tpu.enqueue_dma source(%arg11 : memref<10000x8xf32, #tpu.memory_space<vmem_shared>>) target(%arg12 : memref<10000x8xf32, #tpu.memory_space<vmem>>) target_semaphore(%run_scoped3A_55 : memref<!tpu.dma_semaphore, #tpu.memory_space<semaphore_mem>>)
      tpu.wait_dma2 semaphore(%run_scoped3A_55 : memref<!tpu.dma_semaphore, #tpu.memory_space<semaphore_mem>>) src(%arg11 : memref<10000x8xf32, #tpu.memory_space<vmem_shared>>) dst(%arg12 : memref<10000x8xf32, #tpu.memory_space<vmem>>)
      tpu.yield
    }) : () -> ()
    %add3A_15 = arith.constant 0 : i32
    %add3A_16 = arith.addi %mul3A_2, %add3A_15 : i32
    "tpu.region"() ({
      %run_scoped3A_55 = tpu.sem_alloc : memref<!tpu.dma_semaphore, #tpu.memory_space<semaphore_mem>>
      %dma_start3A = tpu.memref_slice %arg4[%add3A_16] : memref<320000xi32, #tpu.memory_space<hbm>> -> memref<2000xi32, #tpu.memory_space<hbm>>
      %dma_start3A_56 = tpu.memref_slice %arg4[%add3A_16] : memref<320000xi32, #tpu.memory_space<hbm>> -> memref<2000xi32, #tpu.memory_space<hbm>>
      tpu.enqueue_dma source(%dma_start3A_56 : memref<2000xi32, #tpu.memory_space<hbm>>) target(%arg13 : memref<2000xi32, #tpu.memory_space<vmem>>) target_semaphore(%run_scoped3A_55 : memref<!tpu.dma_semaphore, #tpu.memory_space<semaphore_mem>>)
      %dma_wait3A = tpu.memref_slice %arg4[%add3A_16] : memref<320000xi32, #tpu.memory_space<hbm>> -> memref<2000xi32, #tpu.memory_space<hbm>>
      %dma_wait3A_57 = tpu.memref_slice %arg4[%add3A_16] : memref<320000xi32, #tpu.memory_space<hbm>> -> memref<2000xi32, #tpu.memory_space<hbm>>
      tpu.wait_dma2 semaphore(%run_scoped3A_55 : memref<!tpu.dma_semaphore, #tpu.memory_space<semaphore_mem>>) src(%dma_wait3A_57 : memref<2000xi32, #tpu.memory_space<hbm>>) dst(%arg13 : memref<2000xi32, #tpu.memory_space<vmem>>)
      tpu.yield
    }) : () -> ()
    "tpu.region"() ({
      %run_scoped3A_55 = tpu.sem_alloc : memref<!tpu.dma_semaphore, #tpu.memory_space<semaphore_mem>>
      %dma_start3A = tpu.memref_slice %arg5[%add3A_16] : memref<320000xi32, #tpu.memory_space<hbm>> -> memref<2000xi32, #tpu.memory_space<hbm>>
      %dma_start3A_56 = tpu.memref_slice %arg5[%add3A_16] : memref<320000xi32, #tpu.memory_space<hbm>> -> memref<2000xi32, #tpu.memory_space<hbm>>
      tpu.enqueue_dma source(%dma_start3A_56 : memref<2000xi32, #tpu.memory_space<hbm>>) target(%arg14 : memref<2000xi32, #tpu.memory_space<vmem>>) target_semaphore(%run_scoped3A_55 : memref<!tpu.dma_semaphore, #tpu.memory_space<semaphore_mem>>)
      %dma_wait3A = tpu.memref_slice %arg5[%add3A_16] : memref<320000xi32, #tpu.memory_space<hbm>> -> memref<2000xi32, #tpu.memory_space<hbm>>
      %dma_wait3A_57 = tpu.memref_slice %arg5[%add3A_16] : memref<320000xi32, #tpu.memory_space<hbm>> -> memref<2000xi32, #tpu.memory_space<hbm>>
      tpu.wait_dma2 semaphore(%run_scoped3A_55 : memref<!tpu.dma_semaphore, #tpu.memory_space<semaphore_mem>>) src(%dma_wait3A_57 : memref<2000xi32, #tpu.memory_space<hbm>>) dst(%arg14 : memref<2000xi32, #tpu.memory_space<vmem>>)
      tpu.yield
    }) : () -> ()
    %scan3A_17 = arith.constant 0 : i32
    %scan3A_18 = arith.constant 0 : i32
    %scan3A_19 = arith.constant 125 : i32
    %scan3A_20 = arith.addi %scan3A_18, %scan3A_19 : i32
    %scan3A_21 = arith.constant 1 : i32
    scf.for %scan3A_55 = %scan3A_18 to %scan3A_20 step %scan3A_21  : i32 {
      %mul3A_56 = arith.constant 16 : i32
      %mul3A_57 = arith.muli %scan3A_55, %mul3A_56 : i32
      %get3A = arith.index_cast %mul3A_57 : i32 to index
      %get3A_58 = tpu.vector_load %arg13[%get3A] {strides = array<i32>} : memref<2000xi32, #tpu.memory_space<vmem>>, vector<16xi32>,
      %mul3A_59 = arith.constant 16 : i32
      %mul3A_60 = arith.muli %scan3A_55, %mul3A_59 : i32
      %get3A_61 = arith.index_cast %mul3A_60 : i32 to index
      %get3A_62 = tpu.vector_load %arg14[%get3A_61] {strides = array<i32>} : memref<2000xi32, #tpu.memory_space<vmem>>, vector<16xi32>,
      %gather3A = tpu.vector_load_idx %arg12[%get3A_58, %broadcast_in_dim3A_5] : memref<10000x8xf32, #tpu.memory_space<vmem>>[vector<16xi32>, vector<16xi32>], vector<16xf32>,
      %gather3A_63 = tpu.vector_load_idx %arg12[%get3A_62, %broadcast_in_dim3A_7] : memref<10000x8xf32, #tpu.memory_space<vmem>>[vector<16xi32>, vector<16xi32>], vector<16xf32>,
      %add3A_64 = arith.addf %gather3A, %gather3A_63 : vector<16xf32>
      %neg3A = arith.constant 0.000000e+00 : f32
      %neg3A_65 = vector.broadcast %neg3A : f32 to vector<16xf32>
      %neg3A_66 = arith.subf %neg3A_65, %add3A_64 : vector<16xf32>
      %exp3A = math.exp %neg3A_66 : vector<16xf32>
      %add3A_67 = arith.constant 1.000000e+00 : f32
      %add3A_68 = vector.broadcast %add3A_67 : f32 to vector<16xf32>
      %add3A_69 = arith.addf %add3A_68, %exp3A : vector<16xf32>
      %div3A = arith.constant 1.000000e+00 : f32
      %div3A_70 = vector.broadcast %div3A : f32 to vector<16xf32>
      %div3A_71 = arith.divf %div3A_70, %add3A_69 : vector<16xf32>
      %mul3A_72 = arith.constant 16 : i32
      %mul3A_73 = arith.muli %scan3A_55, %mul3A_72 : i32
      %swap3A = arith.index_cast %mul3A_73 : i32 to index
      %swap3A_74 = tpu.vector_load %arg15[%swap3A] {strides = array<i32>} : memref<2000xf32, #tpu.memory_space<vmem>>, vector<16xf32>,
      tpu.vector_store %arg15[%swap3A], %div3A_71 {strides = array<i32>} : memref<2000xf32, #tpu.memory_space<vmem>>, vector<16xf32>,
    }
    %scan3A_22 = arith.constant 125 : i32
    "tpu.region"() ({
      %run_scoped3A_55 = tpu.sem_alloc : memref<!tpu.dma_semaphore, #tpu.memory_space<semaphore_mem>>
      %dma_start3A = tpu.memref_slice %arg6[%add3A_16] : memref<320000xf32, #tpu.memory_space<hbm>> -> memref<2000xf32, #tpu.memory_space<hbm>>
      %dma_start3A_56 = tpu.memref_slice %arg6[%add3A_16] : memref<320000xf32, #tpu.memory_space<hbm>> -> memref<2000xf32, #tpu.memory_space<hbm>>
      tpu.enqueue_dma source(%arg15 : memref<2000xf32, #tpu.memory_space<vmem>>) target(%dma_start3A_56 : memref<2000xf32, #tpu.memory_space<hbm>>) target_semaphore(%run_scoped3A_55 : memref<!tpu.dma_semaphore, #tpu.memory_space<semaphore_mem>>)
      %dma_wait3A = tpu.memref_slice %arg6[%add3A_16] : memref<320000xf32, #tpu.memory_space<hbm>> -> memref<2000xf32, #tpu.memory_space<hbm>>
      %dma_wait3A_57 = tpu.memref_slice %arg6[%add3A_16] : memref<320000xf32, #tpu.memory_space<hbm>> -> memref<2000xf32, #tpu.memory_space<hbm>>
      tpu.wait_dma2 semaphore(%run_scoped3A_55 : memref<!tpu.dma_semaphore, #tpu.memory_space<semaphore_mem>>) src(%arg15 : memref<2000xf32, #tpu.memory_space<vmem>>) dst(%dma_wait3A_57 : memref<2000xf32, #tpu.memory_space<hbm>>)
      tpu.yield
    }) : () -> ()
    %add3A_23 = arith.constant 2000 : i32
    %add3A_24 = arith.addi %mul3A_2, %add3A_23 : i32
    "tpu.region"() ({
      %run_scoped3A_55 = tpu.sem_alloc : memref<!tpu.dma_semaphore, #tpu.memory_space<semaphore_mem>>
      %dma_start3A = tpu.memref_slice %arg4[%add3A_24] : memref<320000xi32, #tpu.memory_space<hbm>> -> memref<2000xi32, #tpu.memory_space<hbm>>
      %dma_start3A_56 = tpu.memref_slice %arg4[%add3A_24] : memref<320000xi32, #tpu.memory_space<hbm>> -> memref<2000xi32, #tpu.memory_space<hbm>>
      tpu.enqueue_dma source(%dma_start3A_56 : memref<2000xi32, #tpu.memory_space<hbm>>) target(%arg13 : memref<2000xi32, #tpu.memory_space<vmem>>) target_semaphore(%run_scoped3A_55 : memref<!tpu.dma_semaphore, #tpu.memory_space<semaphore_mem>>)
      %dma_wait3A = tpu.memref_slice %arg4[%add3A_24] : memref<320000xi32, #tpu.memory_space<hbm>> -> memref<2000xi32, #tpu.memory_space<hbm>>
      %dma_wait3A_57 = tpu.memref_slice %arg4[%add3A_24] : memref<320000xi32, #tpu.memory_space<hbm>> -> memref<2000xi32, #tpu.memory_space<hbm>>
      tpu.wait_dma2 semaphore(%run_scoped3A_55 : memref<!tpu.dma_semaphore, #tpu.memory_space<semaphore_mem>>) src(%dma_wait3A_57 : memref<2000xi32, #tpu.memory_space<hbm>>) dst(%arg13 : memref<2000xi32, #tpu.memory_space<vmem>>)
      tpu.yield
    }) : () -> ()
    "tpu.region"() ({
      %run_scoped3A_55 = tpu.sem_alloc : memref<!tpu.dma_semaphore, #tpu.memory_space<semaphore_mem>>
      %dma_start3A = tpu.memref_slice %arg5[%add3A_24] : memref<320000xi32, #tpu.memory_space<hbm>> -> memref<2000xi32, #tpu.memory_space<hbm>>
      %dma_start3A_56 = tpu.memref_slice %arg5[%add3A_24] : memref<320000xi32, #tpu.memory_space<hbm>> -> memref<2000xi32, #tpu.memory_space<hbm>>
      tpu.enqueue_dma source(%dma_start3A_56 : memref<2000xi32, #tpu.memory_space<hbm>>) target(%arg14 : memref<2000xi32, #tpu.memory_space<vmem>>) target_semaphore(%run_scoped3A_55 : memref<!tpu.dma_semaphore, #tpu.memory_space<semaphore_mem>>)
      %dma_wait3A = tpu.memref_slice %arg5[%add3A_24] : memref<320000xi32, #tpu.memory_space<hbm>> -> memref<2000xi32, #tpu.memory_space<hbm>>
      %dma_wait3A_57 = tpu.memref_slice %arg5[%add3A_24] : memref<320000xi32, #tpu.memory_space<hbm>> -> memref<2000xi32, #tpu.memory_space<hbm>>
      tpu.wait_dma2 semaphore(%run_scoped3A_55 : memref<!tpu.dma_semaphore, #tpu.memory_space<semaphore_mem>>) src(%dma_wait3A_57 : memref<2000xi32, #tpu.memory_space<hbm>>) dst(%arg14 : memref<2000xi32, #tpu.memory_space<vmem>>)
      tpu.yield
    }) : () -> ()
    %scan3A_25 = arith.constant 0 : i32
    %scan3A_26 = arith.constant 0 : i32
    %scan3A_27 = arith.constant 125 : i32
    %scan3A_28 = arith.addi %scan3A_26, %scan3A_27 : i32
    %scan3A_29 = arith.constant 1 : i32
    scf.for %scan3A_55 = %scan3A_26 to %scan3A_28 step %scan3A_29  : i32 {
      %mul3A_56 = arith.constant 16 : i32
      %mul3A_57 = arith.muli %scan3A_55, %mul3A_56 : i32
      %get3A = arith.index_cast %mul3A_57 : i32 to index
      %get3A_58 = tpu.vector_load %arg13[%get3A] {strides = array<i32>} : memref<2000xi32, #tpu.memory_space<vmem>>, vector<16xi32>,
      %mul3A_59 = arith.constant 16 : i32
      %mul3A_60 = arith.muli %scan3A_55, %mul3A_59 : i32
      %get3A_61 = arith.index_cast %mul3A_60 : i32 to index
      %get3A_62 = tpu.vector_load %arg14[%get3A_61] {strides = array<i32>} : memref<2000xi32, #tpu.memory_space<vmem>>, vector<16xi32>,
      %gather3A = tpu.vector_load_idx %arg12[%get3A_58, %broadcast_in_dim3A_5] : memref<10000x8xf32, #tpu.memory_space<vmem>>[vector<16xi32>, vector<16xi32>], vector<16xf32>,
      %gather3A_63 = tpu.vector_load_idx %arg12[%get3A_62, %broadcast_in_dim3A_7] : memref<10000x8xf32, #tpu.memory_space<vmem>>[vector<16xi32>, vector<16xi32>], vector<16xf32>,
      %add3A_64 = arith.addf %gather3A, %gather3A_63 : vector<16xf32>
      %neg3A = arith.constant 0.000000e+00 : f32
      %neg3A_65 = vector.broadcast %neg3A : f32 to vector<16xf32>
      %neg3A_66 = arith.subf %neg3A_65, %add3A_64 : vector<16xf32>
      %exp3A = math.exp %neg3A_66 : vector<16xf32>
      %add3A_67 = arith.constant 1.000000e+00 : f32
      %add3A_68 = vector.broadcast %add3A_67 : f32 to vector<16xf32>
      %add3A_69 = arith.addf %add3A_68, %exp3A : vector<16xf32>
      %div3A = arith.constant 1.000000e+00 : f32
      %div3A_70 = vector.broadcast %div3A : f32 to vector<16xf32>
      %div3A_71 = arith.divf %div3A_70, %add3A_69 : vector<16xf32>
      %mul3A_72 = arith.constant 16 : i32
      %mul3A_73 = arith.muli %scan3A_55, %mul3A_72 : i32
      %swap3A = arith.index_cast %mul3A_73 : i32 to index
      %swap3A_74 = tpu.vector_load %arg15[%swap3A] {strides = array<i32>} : memref<2000xf32, #tpu.memory_space<vmem>>, vector<16xf32>,
      tpu.vector_store %arg15[%swap3A], %div3A_71 {strides = array<i32>} : memref<2000xf32, #tpu.memory_space<vmem>>, vector<16xf32>,
    }
    %scan3A_30 = arith.constant 125 : i32
    "tpu.region"() ({
      %run_scoped3A_55 = tpu.sem_alloc : memref<!tpu.dma_semaphore, #tpu.memory_space<semaphore_mem>>
      %dma_start3A = tpu.memref_slice %arg6[%add3A_24] : memref<320000xf32, #tpu.memory_space<hbm>> -> memref<2000xf32, #tpu.memory_space<hbm>>
      %dma_start3A_56 = tpu.memref_slice %arg6[%add3A_24] : memref<320000xf32, #tpu.memory_space<hbm>> -> memref<2000xf32, #tpu.memory_space<hbm>>
      tpu.enqueue_dma source(%arg15 : memref<2000xf32, #tpu.memory_space<vmem>>) target(%dma_start3A_56 : memref<2000xf32, #tpu.memory_space<hbm>>) target_semaphore(%run_scoped3A_55 : memref<!tpu.dma_semaphore, #tpu.memory_space<semaphore_mem>>)
      %dma_wait3A = tpu.memref_slice %arg6[%add3A_24] : memref<320000xf32, #tpu.memory_space<hbm>> -> memref<2000xf32, #tpu.memory_space<hbm>>
      %dma_wait3A_57 = tpu.memref_slice %arg6[%add3A_24] : memref<320000xf32, #tpu.memory_space<hbm>> -> memref<2000xf32, #tpu.memory_space<hbm>>
      tpu.wait_dma2 semaphore(%run_scoped3A_55 : memref<!tpu.dma_semaphore, #tpu.memory_space<semaphore_mem>>) src(%arg15 : memref<2000xf32, #tpu.memory_space<vmem>>) dst(%dma_wait3A_57 : memref<2000xf32, #tpu.memory_space<hbm>>)
      tpu.yield
    }) : () -> ()
    %add3A_31 = arith.constant 4000 : i32
    %add3A_32 = arith.addi %mul3A_2, %add3A_31 : i32
    "tpu.region"() ({
      %run_scoped3A_55 = tpu.sem_alloc : memref<!tpu.dma_semaphore, #tpu.memory_space<semaphore_mem>>
      %dma_start3A = tpu.memref_slice %arg4[%add3A_32] : memref<320000xi32, #tpu.memory_space<hbm>> -> memref<2000xi32, #tpu.memory_space<hbm>>
      %dma_start3A_56 = tpu.memref_slice %arg4[%add3A_32] : memref<320000xi32, #tpu.memory_space<hbm>> -> memref<2000xi32, #tpu.memory_space<hbm>>
      tpu.enqueue_dma source(%dma_start3A_56 : memref<2000xi32, #tpu.memory_space<hbm>>) target(%arg13 : memref<2000xi32, #tpu.memory_space<vmem>>) target_semaphore(%run_scoped3A_55 : memref<!tpu.dma_semaphore, #tpu.memory_space<semaphore_mem>>)
      %dma_wait3A = tpu.memref_slice %arg4[%add3A_32] : memref<320000xi32, #tpu.memory_space<hbm>> -> memref<2000xi32, #tpu.memory_space<hbm>>
      %dma_wait3A_57 = tpu.memref_slice %arg4[%add3A_32] : memref<320000xi32, #tpu.memory_space<hbm>> -> memref<2000xi32, #tpu.memory_space<hbm>>
      tpu.wait_dma2 semaphore(%run_scoped3A_55 : memref<!tpu.dma_semaphore, #tpu.memory_space<semaphore_mem>>) src(%dma_wait3A_57 : memref<2000xi32, #tpu.memory_space<hbm>>) dst(%arg13 : memref<2000xi32, #tpu.memory_space<vmem>>)
      tpu.yield
    }) : () -> ()
    "tpu.region"() ({
      %run_scoped3A_55 = tpu.sem_alloc : memref<!tpu.dma_semaphore, #tpu.memory_space<semaphore_mem>>
      %dma_start3A = tpu.memref_slice %arg5[%add3A_32] : memref<320000xi32, #tpu.memory_space<hbm>> -> memref<2000xi32, #tpu.memory_space<hbm>>
      %dma_start3A_56 = tpu.memref_slice %arg5[%add3A_32] : memref<320000xi32, #tpu.memory_space<hbm>> -> memref<2000xi32, #tpu.memory_space<hbm>>
      tpu.enqueue_dma source(%dma_start3A_56 : memref<2000xi32, #tpu.memory_space<hbm>>) target(%arg14 : memref<2000xi32, #tpu.memory_space<vmem>>) target_semaphore(%run_scoped3A_55 : memref<!tpu.dma_semaphore, #tpu.memory_space<semaphore_mem>>)
      %dma_wait3A = tpu.memref_slice %arg5[%add3A_32] : memref<320000xi32, #tpu.memory_space<hbm>> -> memref<2000xi32, #tpu.memory_space<hbm>>
      %dma_wait3A_57 = tpu.memref_slice %arg5[%add3A_32] : memref<320000xi32, #tpu.memory_space<hbm>> -> memref<2000xi32, #tpu.memory_space<hbm>>
      tpu.wait_dma2 semaphore(%run_scoped3A_55 : memref<!tpu.dma_semaphore, #tpu.memory_space<semaphore_mem>>) src(%dma_wait3A_57 : memref<2000xi32, #tpu.memory_space<hbm>>) dst(%arg14 : memref<2000xi32, #tpu.memory_space<vmem>>)
      tpu.yield
    }) : () -> ()
    %scan3A_33 = arith.constant 0 : i32
    %scan3A_34 = arith.constant 0 : i32
    %scan3A_35 = arith.constant 125 : i32
    %scan3A_36 = arith.addi %scan3A_34, %scan3A_35 : i32
    %scan3A_37 = arith.constant 1 : i32
    scf.for %scan3A_55 = %scan3A_34 to %scan3A_36 step %scan3A_37  : i32 {
      %mul3A_56 = arith.constant 16 : i32
      %mul3A_57 = arith.muli %scan3A_55, %mul3A_56 : i32
      %get3A = arith.index_cast %mul3A_57 : i32 to index
      %get3A_58 = tpu.vector_load %arg13[%get3A] {strides = array<i32>} : memref<2000xi32, #tpu.memory_space<vmem>>, vector<16xi32>,
      %mul3A_59 = arith.constant 16 : i32
      %mul3A_60 = arith.muli %scan3A_55, %mul3A_59 : i32
      %get3A_61 = arith.index_cast %mul3A_60 : i32 to index
      %get3A_62 = tpu.vector_load %arg14[%get3A_61] {strides = array<i32>} : memref<2000xi32, #tpu.memory_space<vmem>>, vector<16xi32>,
      %gather3A = tpu.vector_load_idx %arg12[%get3A_58, %broadcast_in_dim3A_5] : memref<10000x8xf32, #tpu.memory_space<vmem>>[vector<16xi32>, vector<16xi32>], vector<16xf32>,
      %gather3A_63 = tpu.vector_load_idx %arg12[%get3A_62, %broadcast_in_dim3A_7] : memref<10000x8xf32, #tpu.memory_space<vmem>>[vector<16xi32>, vector<16xi32>], vector<16xf32>,
      %add3A_64 = arith.addf %gather3A, %gather3A_63 : vector<16xf32>
      %neg3A = arith.constant 0.000000e+00 : f32
      %neg3A_65 = vector.broadcast %neg3A : f32 to vector<16xf32>
      %neg3A_66 = arith.subf %neg3A_65, %add3A_64 : vector<16xf32>
      %exp3A = math.exp %neg3A_66 : vector<16xf32>
      %add3A_67 = arith.constant 1.000000e+00 : f32
      %add3A_68 = vector.broadcast %add3A_67 : f32 to vector<16xf32>
      %add3A_69 = arith.addf %add3A_68, %exp3A : vector<16xf32>
      %div3A = arith.constant 1.000000e+00 : f32
      %div3A_70 = vector.broadcast %div3A : f32 to vector<16xf32>
      %div3A_71 = arith.divf %div3A_70, %add3A_69 : vector<16xf32>
      %mul3A_72 = arith.constant 16 : i32
      %mul3A_73 = arith.muli %scan3A_55, %mul3A_72 : i32
      %swap3A = arith.index_cast %mul3A_73 : i32 to index
      %swap3A_74 = tpu.vector_load %arg15[%swap3A] {strides = array<i32>} : memref<2000xf32, #tpu.memory_space<vmem>>, vector<16xf32>,
      tpu.vector_store %arg15[%swap3A], %div3A_71 {strides = array<i32>} : memref<2000xf32, #tpu.memory_space<vmem>>, vector<16xf32>,
    }
    %scan3A_38 = arith.constant 125 : i32
    "tpu.region"() ({
      %run_scoped3A_55 = tpu.sem_alloc : memref<!tpu.dma_semaphore, #tpu.memory_space<semaphore_mem>>
      %dma_start3A = tpu.memref_slice %arg6[%add3A_32] : memref<320000xf32, #tpu.memory_space<hbm>> -> memref<2000xf32, #tpu.memory_space<hbm>>
      %dma_start3A_56 = tpu.memref_slice %arg6[%add3A_32] : memref<320000xf32, #tpu.memory_space<hbm>> -> memref<2000xf32, #tpu.memory_space<hbm>>
      tpu.enqueue_dma source(%arg15 : memref<2000xf32, #tpu.memory_space<vmem>>) target(%dma_start3A_56 : memref<2000xf32, #tpu.memory_space<hbm>>) target_semaphore(%run_scoped3A_55 : memref<!tpu.dma_semaphore, #tpu.memory_space<semaphore_mem>>)
      %dma_wait3A = tpu.memref_slice %arg6[%add3A_32] : memref<320000xf32, #tpu.memory_space<hbm>> -> memref<2000xf32, #tpu.memory_space<hbm>>
      %dma_wait3A_57 = tpu.memref_slice %arg6[%add3A_32] : memref<320000xf32, #tpu.memory_space<hbm>> -> memref<2000xf32, #tpu.memory_space<hbm>>
      tpu.wait_dma2 semaphore(%run_scoped3A_55 : memref<!tpu.dma_semaphore, #tpu.memory_space<semaphore_mem>>) src(%arg15 : memref<2000xf32, #tpu.memory_space<vmem>>) dst(%dma_wait3A_57 : memref<2000xf32, #tpu.memory_space<hbm>>)
      tpu.yield
    }) : () -> ()
    %add3A_39 = arith.constant 6000 : i32
    %add3A_40 = arith.addi %mul3A_2, %add3A_39 : i32
    "tpu.region"() ({
      %run_scoped3A_55 = tpu.sem_alloc : memref<!tpu.dma_semaphore, #tpu.memory_space<semaphore_mem>>
      %dma_start3A = tpu.memref_slice %arg4[%add3A_40] : memref<320000xi32, #tpu.memory_space<hbm>> -> memref<2000xi32, #tpu.memory_space<hbm>>
      %dma_start3A_56 = tpu.memref_slice %arg4[%add3A_40] : memref<320000xi32, #tpu.memory_space<hbm>> -> memref<2000xi32, #tpu.memory_space<hbm>>
      tpu.enqueue_dma source(%dma_start3A_56 : memref<2000xi32, #tpu.memory_space<hbm>>) target(%arg13 : memref<2000xi32, #tpu.memory_space<vmem>>) target_semaphore(%run_scoped3A_55 : memref<!tpu.dma_semaphore, #tpu.memory_space<semaphore_mem>>)
      %dma_wait3A = tpu.memref_slice %arg4[%add3A_40] : memref<320000xi32, #tpu.memory_space<hbm>> -> memref<2000xi32, #tpu.memory_space<hbm>>
      %dma_wait3A_57 = tpu.memref_slice %arg4[%add3A_40] : memref<320000xi32, #tpu.memory_space<hbm>> -> memref<2000xi32, #tpu.memory_space<hbm>>
      tpu.wait_dma2 semaphore(%run_scoped3A_55 : memref<!tpu.dma_semaphore, #tpu.memory_space<semaphore_mem>>) src(%dma_wait3A_57 : memref<2000xi32, #tpu.memory_space<hbm>>) dst(%arg13 : memref<2000xi32, #tpu.memory_space<vmem>>)
      tpu.yield
    }) : () -> ()
    "tpu.region"() ({
      %run_scoped3A_55 = tpu.sem_alloc : memref<!tpu.dma_semaphore, #tpu.memory_space<semaphore_mem>>
      %dma_start3A = tpu.memref_slice %arg5[%add3A_40] : memref<320000xi32, #tpu.memory_space<hbm>> -> memref<2000xi32, #tpu.memory_space<hbm>>
      %dma_start3A_56 = tpu.memref_slice %arg5[%add3A_40] : memref<320000xi32, #tpu.memory_space<hbm>> -> memref<2000xi32, #tpu.memory_space<hbm>>
      tpu.enqueue_dma source(%dma_start3A_56 : memref<2000xi32, #tpu.memory_space<hbm>>) target(%arg14 : memref<2000xi32, #tpu.memory_space<vmem>>) target_semaphore(%run_scoped3A_55 : memref<!tpu.dma_semaphore, #tpu.memory_space<semaphore_mem>>)
      %dma_wait3A = tpu.memref_slice %arg5[%add3A_40] : memref<320000xi32, #tpu.memory_space<hbm>> -> memref<2000xi32, #tpu.memory_space<hbm>>
      %dma_wait3A_57 = tpu.memref_slice %arg5[%add3A_40] : memref<320000xi32, #tpu.memory_space<hbm>> -> memref<2000xi32, #tpu.memory_space<hbm>>
      tpu.wait_dma2 semaphore(%run_scoped3A_55 : memref<!tpu.dma_semaphore, #tpu.memory_space<semaphore_mem>>) src(%dma_wait3A_57 : memref<2000xi32, #tpu.memory_space<hbm>>) dst(%arg14 : memref<2000xi32, #tpu.memory_space<vmem>>)
      tpu.yield
    }) : () -> ()
    %scan3A_41 = arith.constant 0 : i32
    %scan3A_42 = arith.constant 0 : i32
    %scan3A_43 = arith.constant 125 : i32
    %scan3A_44 = arith.addi %scan3A_42, %scan3A_43 : i32
    %scan3A_45 = arith.constant 1 : i32
    scf.for %scan3A_55 = %scan3A_42 to %scan3A_44 step %scan3A_45  : i32 {
      %mul3A_56 = arith.constant 16 : i32
      %mul3A_57 = arith.muli %scan3A_55, %mul3A_56 : i32
      %get3A = arith.index_cast %mul3A_57 : i32 to index
      %get3A_58 = tpu.vector_load %arg13[%get3A] {strides = array<i32>} : memref<2000xi32, #tpu.memory_space<vmem>>, vector<16xi32>,
      %mul3A_59 = arith.constant 16 : i32
      %mul3A_60 = arith.muli %scan3A_55, %mul3A_59 : i32
      %get3A_61 = arith.index_cast %mul3A_60 : i32 to index
      %get3A_62 = tpu.vector_load %arg14[%get3A_61] {strides = array<i32>} : memref<2000xi32, #tpu.memory_space<vmem>>, vector<16xi32>,
      %gather3A = tpu.vector_load_idx %arg12[%get3A_58, %broadcast_in_dim3A_5] : memref<10000x8xf32, #tpu.memory_space<vmem>>[vector<16xi32>, vector<16xi32>], vector<16xf32>,
      %gather3A_63 = tpu.vector_load_idx %arg12[%get3A_62, %broadcast_in_dim3A_7] : memref<10000x8xf32, #tpu.memory_space<vmem>>[vector<16xi32>, vector<16xi32>], vector<16xf32>,
      %add3A_64 = arith.addf %gather3A, %gather3A_63 : vector<16xf32>
      %neg3A = arith.constant 0.000000e+00 : f32
      %neg3A_65 = vector.broadcast %neg3A : f32 to vector<16xf32>
      %neg3A_66 = arith.subf %neg3A_65, %add3A_64 : vector<16xf32>
      %exp3A = math.exp %neg3A_66 : vector<16xf32>
      %add3A_67 = arith.constant 1.000000e+00 : f32
      %add3A_68 = vector.broadcast %add3A_67 : f32 to vector<16xf32>
      %add3A_69 = arith.addf %add3A_68, %exp3A : vector<16xf32>
      %div3A = arith.constant 1.000000e+00 : f32
      %div3A_70 = vector.broadcast %div3A : f32 to vector<16xf32>
      %div3A_71 = arith.divf %div3A_70, %add3A_69 : vector<16xf32>
      %mul3A_72 = arith.constant 16 : i32
      %mul3A_73 = arith.muli %scan3A_55, %mul3A_72 : i32
      %swap3A = arith.index_cast %mul3A_73 : i32 to index
      %swap3A_74 = tpu.vector_load %arg15[%swap3A] {strides = array<i32>} : memref<2000xf32, #tpu.memory_space<vmem>>, vector<16xf32>,
      tpu.vector_store %arg15[%swap3A], %div3A_71 {strides = array<i32>} : memref<2000xf32, #tpu.memory_space<vmem>>, vector<16xf32>,
    }
    %scan3A_46 = arith.constant 125 : i32
    "tpu.region"() ({
      %run_scoped3A_55 = tpu.sem_alloc : memref<!tpu.dma_semaphore, #tpu.memory_space<semaphore_mem>>
      %dma_start3A = tpu.memref_slice %arg6[%add3A_40] : memref<320000xf32, #tpu.memory_space<hbm>> -> memref<2000xf32, #tpu.memory_space<hbm>>
      %dma_start3A_56 = tpu.memref_slice %arg6[%add3A_40] : memref<320000xf32, #tpu.memory_space<hbm>> -> memref<2000xf32, #tpu.memory_space<hbm>>
      tpu.enqueue_dma source(%arg15 : memref<2000xf32, #tpu.memory_space<vmem>>) target(%dma_start3A_56 : memref<2000xf32, #tpu.memory_space<hbm>>) target_semaphore(%run_scoped3A_55 : memref<!tpu.dma_semaphore, #tpu.memory_space<semaphore_mem>>)
      %dma_wait3A = tpu.memref_slice %arg6[%add3A_40] : memref<320000xf32, #tpu.memory_space<hbm>> -> memref<2000xf32, #tpu.memory_space<hbm>>
      %dma_wait3A_57 = tpu.memref_slice %arg6[%add3A_40] : memref<320000xf32, #tpu.memory_space<hbm>> -> memref<2000xf32, #tpu.memory_space<hbm>>
      tpu.wait_dma2 semaphore(%run_scoped3A_55 : memref<!tpu.dma_semaphore, #tpu.memory_space<semaphore_mem>>) src(%arg15 : memref<2000xf32, #tpu.memory_space<vmem>>) dst(%dma_wait3A_57 : memref<2000xf32, #tpu.memory_space<hbm>>)
      tpu.yield
    }) : () -> ()
    %add3A_47 = arith.constant 8000 : i32
    %add3A_48 = arith.addi %mul3A_2, %add3A_47 : i32
    "tpu.region"() ({
      %run_scoped3A_55 = tpu.sem_alloc : memref<!tpu.dma_semaphore, #tpu.memory_space<semaphore_mem>>
      %dma_start3A = tpu.memref_slice %arg4[%add3A_48] : memref<320000xi32, #tpu.memory_space<hbm>> -> memref<2000xi32, #tpu.memory_space<hbm>>
      %dma_start3A_56 = tpu.memref_slice %arg4[%add3A_48] : memref<320000xi32, #tpu.memory_space<hbm>> -> memref<2000xi32, #tpu.memory_space<hbm>>
      tpu.enqueue_dma source(%dma_start3A_56 : memref<2000xi32, #tpu.memory_space<hbm>>) target(%arg13 : memref<2000xi32, #tpu.memory_space<vmem>>) target_semaphore(%run_scoped3A_55 : memref<!tpu.dma_semaphore, #tpu.memory_space<semaphore_mem>>)
      %dma_wait3A = tpu.memref_slice %arg4[%add3A_48] : memref<320000xi32, #tpu.memory_space<hbm>> -> memref<2000xi32, #tpu.memory_space<hbm>>
      %dma_wait3A_57 = tpu.memref_slice %arg4[%add3A_48] : memref<320000xi32, #tpu.memory_space<hbm>> -> memref<2000xi32, #tpu.memory_space<hbm>>
      tpu.wait_dma2 semaphore(%run_scoped3A_55 : memref<!tpu.dma_semaphore, #tpu.memory_space<semaphore_mem>>) src(%dma_wait3A_57 : memref<2000xi32, #tpu.memory_space<hbm>>) dst(%arg13 : memref<2000xi32, #tpu.memory_space<vmem>>)
      tpu.yield
    }) : () -> ()
    "tpu.region"() ({
      %run_scoped3A_55 = tpu.sem_alloc : memref<!tpu.dma_semaphore, #tpu.memory_space<semaphore_mem>>
      %dma_start3A = tpu.memref_slice %arg5[%add3A_48] : memref<320000xi32, #tpu.memory_space<hbm>> -> memref<2000xi32, #tpu.memory_space<hbm>>
      %dma_start3A_56 = tpu.memref_slice %arg5[%add3A_48] : memref<320000xi32, #tpu.memory_space<hbm>> -> memref<2000xi32, #tpu.memory_space<hbm>>
      tpu.enqueue_dma source(%dma_start3A_56 : memref<2000xi32, #tpu.memory_space<hbm>>) target(%arg14 : memref<2000xi32, #tpu.memory_space<vmem>>) target_semaphore(%run_scoped3A_55 : memref<!tpu.dma_semaphore, #tpu.memory_space<semaphore_mem>>)
      %dma_wait3A = tpu.memref_slice %arg5[%add3A_48] : memref<320000xi32, #tpu.memory_space<hbm>> -> memref<2000xi32, #tpu.memory_space<hbm>>
      %dma_wait3A_57 = tpu.memref_slice %arg5[%add3A_48] : memref<320000xi32, #tpu.memory_space<hbm>> -> memref<2000xi32, #tpu.memory_space<hbm>>
      tpu.wait_dma2 semaphore(%run_scoped3A_55 : memref<!tpu.dma_semaphore, #tpu.memory_space<semaphore_mem>>) src(%dma_wait3A_57 : memref<2000xi32, #tpu.memory_space<hbm>>) dst(%arg14 : memref<2000xi32, #tpu.memory_space<vmem>>)
      tpu.yield
    }) : () -> ()
    %scan3A_49 = arith.constant 0 : i32
    %scan3A_50 = arith.constant 0 : i32
    %scan3A_51 = arith.constant 125 : i32
    %scan3A_52 = arith.addi %scan3A_50, %scan3A_51 : i32
    %scan3A_53 = arith.constant 1 : i32
    scf.for %scan3A_55 = %scan3A_50 to %scan3A_52 step %scan3A_53  : i32 {
      %mul3A_56 = arith.constant 16 : i32
      %mul3A_57 = arith.muli %scan3A_55, %mul3A_56 : i32
      %get3A = arith.index_cast %mul3A_57 : i32 to index
      %get3A_58 = tpu.vector_load %arg13[%get3A] {strides = array<i32>} : memref<2000xi32, #tpu.memory_space<vmem>>, vector<16xi32>,
      %mul3A_59 = arith.constant 16 : i32
      %mul3A_60 = arith.muli %scan3A_55, %mul3A_59 : i32
      %get3A_61 = arith.index_cast %mul3A_60 : i32 to index
      %get3A_62 = tpu.vector_load %arg14[%get3A_61] {strides = array<i32>} : memref<2000xi32, #tpu.memory_space<vmem>>, vector<16xi32>,
      %gather3A = tpu.vector_load_idx %arg12[%get3A_58, %broadcast_in_dim3A_5] : memref<10000x8xf32, #tpu.memory_space<vmem>>[vector<16xi32>, vector<16xi32>], vector<16xf32>,
      %gather3A_63 = tpu.vector_load_idx %arg12[%get3A_62, %broadcast_in_dim3A_7] : memref<10000x8xf32, #tpu.memory_space<vmem>>[vector<16xi32>, vector<16xi32>], vector<16xf32>,
      %add3A_64 = arith.addf %gather3A, %gather3A_63 : vector<16xf32>
      %neg3A = arith.constant 0.000000e+00 : f32
      %neg3A_65 = vector.broadcast %neg3A : f32 to vector<16xf32>
      %neg3A_66 = arith.subf %neg3A_65, %add3A_64 : vector<16xf32>
      %exp3A = math.exp %neg3A_66 : vector<16xf32>
      %add3A_67 = arith.constant 1.000000e+00 : f32
      %add3A_68 = vector.broadcast %add3A_67 : f32 to vector<16xf32>
      %add3A_69 = arith.addf %add3A_68, %exp3A : vector<16xf32>
      %div3A = arith.constant 1.000000e+00 : f32
      %div3A_70 = vector.broadcast %div3A : f32 to vector<16xf32>
      %div3A_71 = arith.divf %div3A_70, %add3A_69 : vector<16xf32>
      %mul3A_72 = arith.constant 16 : i32
      %mul3A_73 = arith.muli %scan3A_55, %mul3A_72 : i32
      %swap3A = arith.index_cast %mul3A_73 : i32 to index
      %swap3A_74 = tpu.vector_load %arg15[%swap3A] {strides = array<i32>} : memref<2000xf32, #tpu.memory_space<vmem>>, vector<16xf32>,
      tpu.vector_store %arg15[%swap3A], %div3A_71 {strides = array<i32>} : memref<2000xf32, #tpu.memory_space<vmem>>, vector<16xf32>,
    }
    %scan3A_54 = arith.constant 125 : i32
    "tpu.region"() ({
      %run_scoped3A_55 = tpu.sem_alloc : memref<!tpu.dma_semaphore, #tpu.memory_space<semaphore_mem>>
      %dma_start3A = tpu.memref_slice %arg6[%add3A_48] : memref<320000xf32, #tpu.memory_space<hbm>> -> memref<2000xf32, #tpu.memory_space<hbm>>
      %dma_start3A_56 = tpu.memref_slice %arg6[%add3A_48] : memref<320000xf32, #tpu.memory_space<hbm>> -> memref<2000xf32, #tpu.memory_space<hbm>>
      tpu.enqueue_dma source(%arg15 : memref<2000xf32, #tpu.memory_space<vmem>>) target(%dma_start3A_56 : memref<2000xf32, #tpu.memory_space<hbm>>) target_semaphore(%run_scoped3A_55 : memref<!tpu.dma_semaphore, #tpu.memory_space<semaphore_mem>>)
      %dma_wait3A = tpu.memref_slice %arg6[%add3A_48] : memref<320000xf32, #tpu.memory_space<hbm>> -> memref<2000xf32, #tpu.memory_space<hbm>>
      %dma_wait3A_57 = tpu.memref_slice %arg6[%add3A_48] : memref<320000xf32, #tpu.memory_space<hbm>> -> memref<2000xf32, #tpu.memory_space<hbm>>
      tpu.wait_dma2 semaphore(%run_scoped3A_55 : memref<!tpu.dma_semaphore, #tpu.memory_space<semaphore_mem>>) src(%arg15 : memref<2000xf32, #tpu.memory_space<vmem>>) dst(%dma_wait3A_57 : memref<2000xf32, #tpu.memory_space<hbm>>)
      tpu.yield
    }) : () -> ()
    return
  }
}

#map = affine_map<(d0, d1) -> (0, 0)>
#map1 = affine_map<(d0, d1) -> (0, 0, 0)>
module attributes {stable_mosaic.version = 14 : i64} {
  func.func @k(%arg0: i32, %arg1: i32, %arg2: memref<10000x144xf32, #tpu.memory_space<hbm>>, %arg3: memref<32x250x40xi32, #tpu.memory_space<hbm>>, %arg4: memref<32x250x40xi32, #tpu.memory_space<hbm>>, %arg5: memref<10000x144xf32, #tpu.memory_space<hbm>>, %arg6: memref<2x10000x144xf32, #tpu.memory_space<hbm>>, %arg7: memref<250x40xi32, #tpu.memory_space<vmem>>, %arg8: memref<250x40xi32, #tpu.memory_space<vmem>>, %arg9: memref<40x144xf32, #tpu.memory_space<vmem>>, %arg10: memref<40x144xf32, #tpu.memory_space<vmem>>, %arg11: memref<10000x144xf32, #tpu.memory_space<vmem_shared>>, %arg12: memref<!tpu.dma_semaphore, #tpu.memory_space<semaphore_mem>>, %arg13: memref<!tpu.dma_semaphore, #tpu.memory_space<semaphore_mem>>) attributes {dimension_semantics = [#tpu.dimension_semantics<core_parallel>, #tpu.dimension_semantics<subcore_parallel>], iteration_bounds = array<i64: 2, 16>, scalar_prefetch = 0 : i64, scratch_operands = 7 : i64, tpu.core_type = #tpu.core_type<sc_vector_subcore>, window_params = [{transform_indices = #map}, {transform_indices = #map1}, {transform_indices = #map1}, {transform_indices = #map}, {transform_indices = #map1}]} {
    %mul3A = arith.constant 2 : i32
    %mul3A_0 = arith.muli %arg1, %mul3A : i32
    %add3A = arith.addi %mul3A_0, %arg0 : i32
    %mul3A_1 = arith.constant 625 : i32
    %mul3A_2 = arith.muli %arg1, %mul3A_1 : i32
    "tpu.region"() ({
      %run_scoped3A = tpu.sem_alloc : memref<!tpu.dma_semaphore, #tpu.memory_space<semaphore_mem>>
      %dma_start3A_35 = arith.constant 0 : i32
      %dma_start3A_36 = tpu.memref_slice %arg11[%mul3A_2, %dma_start3A_35] : memref<10000x144xf32, #tpu.memory_space<vmem_shared>> -> memref<625x144xf32, #tpu.memory_space<vmem_shared>>
      %dma_start3A_37 = arith.constant 0 : i32
      %dma_start3A_38 = tpu.memref_slice %arg5[%mul3A_2, %dma_start3A_37] : memref<10000x144xf32, #tpu.memory_space<hbm>> -> memref<625x144xf32, #tpu.memory_space<hbm>>
      tpu.enqueue_dma source(%dma_start3A_38 : memref<625x144xf32, #tpu.memory_space<hbm>>) target(%dma_start3A_36 : memref<625x144xf32, #tpu.memory_space<vmem_shared>>) target_semaphore(%run_scoped3A : memref<!tpu.dma_semaphore, #tpu.memory_space<semaphore_mem>>)
      %dma_wait3A_39 = arith.constant 0 : i32
      %dma_wait3A_40 = tpu.memref_slice %arg11[%mul3A_2, %dma_wait3A_39] : memref<10000x144xf32, #tpu.memory_space<vmem_shared>> -> memref<625x144xf32, #tpu.memory_space<vmem_shared>>
      %dma_wait3A_41 = arith.constant 0 : i32
      %dma_wait3A_42 = tpu.memref_slice %arg5[%mul3A_2, %dma_wait3A_41] : memref<10000x144xf32, #tpu.memory_space<hbm>> -> memref<625x144xf32, #tpu.memory_space<hbm>>
      tpu.wait_dma2 semaphore(%run_scoped3A : memref<!tpu.dma_semaphore, #tpu.memory_space<semaphore_mem>>) src(%dma_wait3A_42 : memref<625x144xf32, #tpu.memory_space<hbm>>) dst(%dma_wait3A_40 : memref<625x144xf32, #tpu.memory_space<vmem_shared>>)
      tpu.yield
    }) : () -> ()
    "tpu.region"() ({
      %run_scoped3A = tpu.sem_alloc : memref<!tpu.dma_semaphore, #tpu.memory_space<semaphore_mem>>
      %dma_start3A_35 = arith.constant 0 : i32
      %dma_start3A_36 = arith.constant 0 : i32
      %dma_start3A_37 = tpu.memref_slice %arg3[%add3A, %dma_start3A_35, %dma_start3A_36] : memref<32x250x40xi32, #tpu.memory_space<hbm>> -> memref<1x250x40xi32, #tpu.memory_space<hbm>>
      %dma_start3A_38 = tpu.memref_squeeze %dma_start3A_37 : memref<1x250x40xi32, #tpu.memory_space<hbm>> -> memref<250x40xi32, #tpu.memory_space<hbm>>
      %dma_start3A_39 = arith.constant 0 : i32
      %dma_start3A_40 = arith.constant 0 : i32
      %dma_start3A_41 = tpu.memref_slice %arg3[%add3A, %dma_start3A_39, %dma_start3A_40] : memref<32x250x40xi32, #tpu.memory_space<hbm>> -> memref<1x250x40xi32, #tpu.memory_space<hbm>>
      %dma_start3A_42 = tpu.memref_squeeze %dma_start3A_41 : memref<1x250x40xi32, #tpu.memory_space<hbm>> -> memref<250x40xi32, #tpu.memory_space<hbm>>
      tpu.enqueue_dma source(%dma_start3A_42 : memref<250x40xi32, #tpu.memory_space<hbm>>) target(%arg7 : memref<250x40xi32, #tpu.memory_space<vmem>>) target_semaphore(%run_scoped3A : memref<!tpu.dma_semaphore, #tpu.memory_space<semaphore_mem>>)
      %dma_wait3A_43 = arith.constant 0 : i32
      %dma_wait3A_44 = arith.constant 0 : i32
      %dma_wait3A_45 = tpu.memref_slice %arg3[%add3A, %dma_wait3A_43, %dma_wait3A_44] : memref<32x250x40xi32, #tpu.memory_space<hbm>> -> memref<1x250x40xi32, #tpu.memory_space<hbm>>
      %dma_wait3A_46 = tpu.memref_squeeze %dma_wait3A_45 : memref<1x250x40xi32, #tpu.memory_space<hbm>> -> memref<250x40xi32, #tpu.memory_space<hbm>>
      %dma_wait3A_47 = arith.constant 0 : i32
      %dma_wait3A_48 = arith.constant 0 : i32
      %dma_wait3A_49 = tpu.memref_slice %arg3[%add3A, %dma_wait3A_47, %dma_wait3A_48] : memref<32x250x40xi32, #tpu.memory_space<hbm>> -> memref<1x250x40xi32, #tpu.memory_space<hbm>>
      %dma_wait3A_50 = tpu.memref_squeeze %dma_wait3A_49 : memref<1x250x40xi32, #tpu.memory_space<hbm>> -> memref<250x40xi32, #tpu.memory_space<hbm>>
      tpu.wait_dma2 semaphore(%run_scoped3A : memref<!tpu.dma_semaphore, #tpu.memory_space<semaphore_mem>>) src(%dma_wait3A_50 : memref<250x40xi32, #tpu.memory_space<hbm>>) dst(%arg7 : memref<250x40xi32, #tpu.memory_space<vmem>>)
      tpu.yield
    }) : () -> ()
    "tpu.region"() ({
      %run_scoped3A = tpu.sem_alloc : memref<!tpu.dma_semaphore, #tpu.memory_space<semaphore_mem>>
      %dma_start3A_35 = arith.constant 0 : i32
      %dma_start3A_36 = arith.constant 0 : i32
      %dma_start3A_37 = tpu.memref_slice %arg4[%add3A, %dma_start3A_35, %dma_start3A_36] : memref<32x250x40xi32, #tpu.memory_space<hbm>> -> memref<1x250x40xi32, #tpu.memory_space<hbm>>
      %dma_start3A_38 = tpu.memref_squeeze %dma_start3A_37 : memref<1x250x40xi32, #tpu.memory_space<hbm>> -> memref<250x40xi32, #tpu.memory_space<hbm>>
      %dma_start3A_39 = arith.constant 0 : i32
      %dma_start3A_40 = arith.constant 0 : i32
      %dma_start3A_41 = tpu.memref_slice %arg4[%add3A, %dma_start3A_39, %dma_start3A_40] : memref<32x250x40xi32, #tpu.memory_space<hbm>> -> memref<1x250x40xi32, #tpu.memory_space<hbm>>
      %dma_start3A_42 = tpu.memref_squeeze %dma_start3A_41 : memref<1x250x40xi32, #tpu.memory_space<hbm>> -> memref<250x40xi32, #tpu.memory_space<hbm>>
      tpu.enqueue_dma source(%dma_start3A_42 : memref<250x40xi32, #tpu.memory_space<hbm>>) target(%arg8 : memref<250x40xi32, #tpu.memory_space<vmem>>) target_semaphore(%run_scoped3A : memref<!tpu.dma_semaphore, #tpu.memory_space<semaphore_mem>>)
      %dma_wait3A_43 = arith.constant 0 : i32
      %dma_wait3A_44 = arith.constant 0 : i32
      %dma_wait3A_45 = tpu.memref_slice %arg4[%add3A, %dma_wait3A_43, %dma_wait3A_44] : memref<32x250x40xi32, #tpu.memory_space<hbm>> -> memref<1x250x40xi32, #tpu.memory_space<hbm>>
      %dma_wait3A_46 = tpu.memref_squeeze %dma_wait3A_45 : memref<1x250x40xi32, #tpu.memory_space<hbm>> -> memref<250x40xi32, #tpu.memory_space<hbm>>
      %dma_wait3A_47 = arith.constant 0 : i32
      %dma_wait3A_48 = arith.constant 0 : i32
      %dma_wait3A_49 = tpu.memref_slice %arg4[%add3A, %dma_wait3A_47, %dma_wait3A_48] : memref<32x250x40xi32, #tpu.memory_space<hbm>> -> memref<1x250x40xi32, #tpu.memory_space<hbm>>
      %dma_wait3A_50 = tpu.memref_squeeze %dma_wait3A_49 : memref<1x250x40xi32, #tpu.memory_space<hbm>> -> memref<250x40xi32, #tpu.memory_space<hbm>>
      tpu.wait_dma2 semaphore(%run_scoped3A : memref<!tpu.dma_semaphore, #tpu.memory_space<semaphore_mem>>) src(%dma_wait3A_50 : memref<250x40xi32, #tpu.memory_space<hbm>>) dst(%arg8 : memref<250x40xi32, #tpu.memory_space<vmem>>)
      tpu.yield
    }) : () -> ()
    %barrier3A = arith.constant 0 : index
    tpu.barrier barrier_id(%barrier3A)
    %dma_start3A = arith.constant 0 : i32
    %dma_start3A_3 = arith.constant 0 : i32
    %dma_start3A_4 = tpu.memref_slice %arg7[%dma_start3A, %dma_start3A_3] : memref<250x40xi32, #tpu.memory_space<vmem>> -> memref<1x40xi32, #tpu.memory_space<vmem>>
    %dma_start3A_5 = tpu.memref_squeeze %dma_start3A_4 : memref<1x40xi32, #tpu.memory_space<vmem>> -> memref<40xi32, #tpu.memory_space<vmem>>
    %dma_start3A_6 = arith.constant 0 : i32
    %dma_start3A_7 = arith.constant 0 : i32
    %dma_start3A_8 = tpu.memref_slice %arg2[%dma_start3A_6, %dma_start3A_7] : memref<10000x144xf32, #tpu.memory_space<hbm>> -> memref<10000x144xf32, #tpu.memory_space<hbm>>
    tpu.enqueue_indirect_dma source(%dma_start3A_8 : memref<10000x144xf32, #tpu.memory_space<hbm>>) target(%arg9 : memref<40x144xf32, #tpu.memory_space<vmem>>) offsets(%dma_start3A_5 : memref<40xi32, #tpu.memory_space<vmem>>) semaphore(%arg12 : memref<!tpu.dma_semaphore, #tpu.memory_space<semaphore_mem>>)
    %dma_start3A_9 = arith.constant 1 : i32
    %dma_start3A_10 = arith.constant 0 : i32
    %dma_start3A_11 = tpu.memref_slice %arg7[%dma_start3A_9, %dma_start3A_10] : memref<250x40xi32, #tpu.memory_space<vmem>> -> memref<1x40xi32, #tpu.memory_space<vmem>>
    %dma_start3A_12 = tpu.memref_squeeze %dma_start3A_11 : memref<1x40xi32, #tpu.memory_space<vmem>> -> memref<40xi32, #tpu.memory_space<vmem>>
    %dma_start3A_13 = arith.constant 0 : i32
    %dma_start3A_14 = arith.constant 0 : i32
    %dma_start3A_15 = tpu.memref_slice %arg2[%dma_start3A_13, %dma_start3A_14] : memref<10000x144xf32, #tpu.memory_space<hbm>> -> memref<10000x144xf32, #tpu.memory_space<hbm>>
    tpu.enqueue_indirect_dma source(%dma_start3A_15 : memref<10000x144xf32, #tpu.memory_space<hbm>>) target(%arg10 : memref<40x144xf32, #tpu.memory_space<vmem>>) offsets(%dma_start3A_12 : memref<40xi32, #tpu.memory_space<vmem>>) semaphore(%arg13 : memref<!tpu.dma_semaphore, #tpu.memory_space<semaphore_mem>>)
    %scan3A = arith.constant 0 : i32
    %scan3A_16 = arith.constant 0 : i32
    %scan3A_17 = arith.constant 125 : i32
    %scan3A_18 = arith.addi %scan3A_16, %scan3A_17 : i32
    %scan3A_19 = arith.constant 1 : i32
    scf.for %scan3A_35 = %scan3A_16 to %scan3A_18 step %scan3A_19  : i32 {
      %mul3A_36 = arith.constant 2 : i32
      %mul3A_37 = arith.muli %mul3A_36, %scan3A_35 : i32
      %dma_wait3A_38 = arith.constant 0 : i32
      %dma_wait3A_39 = arith.constant 0 : i32
      %dma_wait3A_40 = tpu.memref_slice %arg7[%dma_wait3A_38, %dma_wait3A_39] : memref<250x40xi32, #tpu.memory_space<vmem>> -> memref<1x40xi32, #tpu.memory_space<vmem>>
      %dma_wait3A_41 = tpu.memref_squeeze %dma_wait3A_40 : memref<1x40xi32, #tpu.memory_space<vmem>> -> memref<40xi32, #tpu.memory_space<vmem>>
      %dma_wait3A_42 = arith.constant 0 : i32
      %dma_wait3A_43 = arith.constant 0 : i32
      %dma_wait3A_44 = tpu.memref_slice %arg2[%dma_wait3A_42, %dma_wait3A_43] : memref<10000x144xf32, #tpu.memory_space<hbm>> -> memref<10000x144xf32, #tpu.memory_space<hbm>>
      tpu.wait_indirect_dma semaphore(%arg12 : memref<!tpu.dma_semaphore, #tpu.memory_space<semaphore_mem>>) src(%dma_wait3A_44 : memref<10000x144xf32, #tpu.memory_space<hbm>>) dst(%arg9 : memref<40x144xf32, #tpu.memory_space<vmem>>)
      "tpu.region"() ({
        %run_scoped3A = tpu.sem_alloc : memref<!tpu.dma_semaphore, #tpu.memory_space<semaphore_mem>>
        %dma_start3A_73 = arith.constant 0 : i32
        %dma_start3A_74 = tpu.memref_slice %arg8[%mul3A_37, %dma_start3A_73] : memref<250x40xi32, #tpu.memory_space<vmem>> -> memref<1x40xi32, #tpu.memory_space<vmem>>
        %dma_start3A_75 = tpu.memref_squeeze %dma_start3A_74 : memref<1x40xi32, #tpu.memory_space<vmem>> -> memref<40xi32, #tpu.memory_space<vmem>>
        %dma_start3A_76 = arith.constant 0 : i32
        %dma_start3A_77 = arith.constant 0 : i32
        %dma_start3A_78 = tpu.memref_slice %arg11[%dma_start3A_76, %dma_start3A_77] : memref<10000x144xf32, #tpu.memory_space<vmem_shared>> -> memref<10000x144xf32, #tpu.memory_space<vmem_shared>>
        tpu.enqueue_indirect_dma source(%arg9 : memref<40x144xf32, #tpu.memory_space<vmem>>) target(%dma_start3A_78 : memref<10000x144xf32, #tpu.memory_space<vmem_shared>>) offsets(%dma_start3A_75 : memref<40xi32, #tpu.memory_space<vmem>>) semaphore(%run_scoped3A : memref<!tpu.dma_semaphore, #tpu.memory_space<semaphore_mem>>) {add = true}
        %dma_wait3A_79 = arith.constant 0 : i32
        %dma_wait3A_80 = tpu.memref_slice %arg8[%mul3A_37, %dma_wait3A_79] : memref<250x40xi32, #tpu.memory_space<vmem>> -> memref<1x40xi32, #tpu.memory_space<vmem>>
        %dma_wait3A_81 = tpu.memref_squeeze %dma_wait3A_80 : memref<1x40xi32, #tpu.memory_space<vmem>> -> memref<40xi32, #tpu.memory_space<vmem>>
        %dma_wait3A_82 = arith.constant 0 : i32
        %dma_wait3A_83 = arith.constant 0 : i32
        %dma_wait3A_84 = tpu.memref_slice %arg11[%dma_wait3A_82, %dma_wait3A_83] : memref<10000x144xf32, #tpu.memory_space<vmem_shared>> -> memref<10000x144xf32, #tpu.memory_space<vmem_shared>>
        tpu.wait_indirect_dma semaphore(%run_scoped3A : memref<!tpu.dma_semaphore, #tpu.memory_space<semaphore_mem>>) src(%arg9 : memref<40x144xf32, #tpu.memory_space<vmem>>) dst(%dma_wait3A_84 : memref<10000x144xf32, #tpu.memory_space<vmem_shared>>)
        tpu.yield
      }) : () -> ()
      %add3A_45 = arith.constant 2 : i32
      %add3A_46 = arith.addi %mul3A_37, %add3A_45 : i32
      %min3A = arith.constant 249 : i32
      %min3A_47 = arith.minsi %add3A_46, %min3A : i32
      %dma_start3A_48 = arith.constant 0 : i32
      %dma_start3A_49 = tpu.memref_slice %arg7[%min3A_47, %dma_start3A_48] : memref<250x40xi32, #tpu.memory_space<vmem>> -> memref<1x40xi32, #tpu.memory_space<vmem>>
      %dma_start3A_50 = tpu.memref_squeeze %dma_start3A_49 : memref<1x40xi32, #tpu.memory_space<vmem>> -> memref<40xi32, #tpu.memory_space<vmem>>
      %dma_start3A_51 = arith.constant 0 : i32
      %dma_start3A_52 = arith.constant 0 : i32
      %dma_start3A_53 = tpu.memref_slice %arg2[%dma_start3A_51, %dma_start3A_52] : memref<10000x144xf32, #tpu.memory_space<hbm>> -> memref<10000x144xf32, #tpu.memory_space<hbm>>
      tpu.enqueue_indirect_dma source(%dma_start3A_53 : memref<10000x144xf32, #tpu.memory_space<hbm>>) target(%arg9 : memref<40x144xf32, #tpu.memory_space<vmem>>) offsets(%dma_start3A_50 : memref<40xi32, #tpu.memory_space<vmem>>) semaphore(%arg12 : memref<!tpu.dma_semaphore, #tpu.memory_space<semaphore_mem>>)
      %dma_wait3A_54 = arith.constant 0 : i32
      %dma_wait3A_55 = arith.constant 0 : i32
      %dma_wait3A_56 = tpu.memref_slice %arg7[%dma_wait3A_54, %dma_wait3A_55] : memref<250x40xi32, #tpu.memory_space<vmem>> -> memref<1x40xi32, #tpu.memory_space<vmem>>
      %dma_wait3A_57 = tpu.memref_squeeze %dma_wait3A_56 : memref<1x40xi32, #tpu.memory_space<vmem>> -> memref<40xi32, #tpu.memory_space<vmem>>
      %dma_wait3A_58 = arith.constant 0 : i32
      %dma_wait3A_59 = arith.constant 0 : i32
      %dma_wait3A_60 = tpu.memref_slice %arg2[%dma_wait3A_58, %dma_wait3A_59] : memref<10000x144xf32, #tpu.memory_space<hbm>> -> memref<10000x144xf32, #tpu.memory_space<hbm>>
      tpu.wait_indirect_dma semaphore(%arg13 : memref<!tpu.dma_semaphore, #tpu.memory_space<semaphore_mem>>) src(%dma_wait3A_60 : memref<10000x144xf32, #tpu.memory_space<hbm>>) dst(%arg10 : memref<40x144xf32, #tpu.memory_space<vmem>>)
      %add3A_61 = arith.constant 1 : i32
      %add3A_62 = arith.addi %mul3A_37, %add3A_61 : i32
      "tpu.region"() ({
        %run_scoped3A = tpu.sem_alloc : memref<!tpu.dma_semaphore, #tpu.memory_space<semaphore_mem>>
        %dma_start3A_73 = arith.constant 0 : i32
        %dma_start3A_74 = tpu.memref_slice %arg8[%add3A_62, %dma_start3A_73] : memref<250x40xi32, #tpu.memory_space<vmem>> -> memref<1x40xi32, #tpu.memory_space<vmem>>
        %dma_start3A_75 = tpu.memref_squeeze %dma_start3A_74 : memref<1x40xi32, #tpu.memory_space<vmem>> -> memref<40xi32, #tpu.memory_space<vmem>>
        %dma_start3A_76 = arith.constant 0 : i32
        %dma_start3A_77 = arith.constant 0 : i32
        %dma_start3A_78 = tpu.memref_slice %arg11[%dma_start3A_76, %dma_start3A_77] : memref<10000x144xf32, #tpu.memory_space<vmem_shared>> -> memref<10000x144xf32, #tpu.memory_space<vmem_shared>>
        tpu.enqueue_indirect_dma source(%arg10 : memref<40x144xf32, #tpu.memory_space<vmem>>) target(%dma_start3A_78 : memref<10000x144xf32, #tpu.memory_space<vmem_shared>>) offsets(%dma_start3A_75 : memref<40xi32, #tpu.memory_space<vmem>>) semaphore(%run_scoped3A : memref<!tpu.dma_semaphore, #tpu.memory_space<semaphore_mem>>) {add = true}
        %dma_wait3A_79 = arith.constant 0 : i32
        %dma_wait3A_80 = tpu.memref_slice %arg8[%add3A_62, %dma_wait3A_79] : memref<250x40xi32, #tpu.memory_space<vmem>> -> memref<1x40xi32, #tpu.memory_space<vmem>>
        %dma_wait3A_81 = tpu.memref_squeeze %dma_wait3A_80 : memref<1x40xi32, #tpu.memory_space<vmem>> -> memref<40xi32, #tpu.memory_space<vmem>>
        %dma_wait3A_82 = arith.constant 0 : i32
        %dma_wait3A_83 = arith.constant 0 : i32
        %dma_wait3A_84 = tpu.memref_slice %arg11[%dma_wait3A_82, %dma_wait3A_83] : memref<10000x144xf32, #tpu.memory_space<vmem_shared>> -> memref<10000x144xf32, #tpu.memory_space<vmem_shared>>
        tpu.wait_indirect_dma semaphore(%run_scoped3A : memref<!tpu.dma_semaphore, #tpu.memory_space<semaphore_mem>>) src(%arg10 : memref<40x144xf32, #tpu.memory_space<vmem>>) dst(%dma_wait3A_84 : memref<10000x144xf32, #tpu.memory_space<vmem_shared>>)
        tpu.yield
      }) : () -> ()
      %add3A_63 = arith.constant 3 : i32
      %add3A_64 = arith.addi %mul3A_37, %add3A_63 : i32
      %min3A_65 = arith.constant 249 : i32
      %min3A_66 = arith.minsi %add3A_64, %min3A_65 : i32
      %dma_start3A_67 = arith.constant 0 : i32
      %dma_start3A_68 = tpu.memref_slice %arg7[%min3A_66, %dma_start3A_67] : memref<250x40xi32, #tpu.memory_space<vmem>> -> memref<1x40xi32, #tpu.memory_space<vmem>>
      %dma_start3A_69 = tpu.memref_squeeze %dma_start3A_68 : memref<1x40xi32, #tpu.memory_space<vmem>> -> memref<40xi32, #tpu.memory_space<vmem>>
      %dma_start3A_70 = arith.constant 0 : i32
      %dma_start3A_71 = arith.constant 0 : i32
      %dma_start3A_72 = tpu.memref_slice %arg2[%dma_start3A_70, %dma_start3A_71] : memref<10000x144xf32, #tpu.memory_space<hbm>> -> memref<10000x144xf32, #tpu.memory_space<hbm>>
      tpu.enqueue_indirect_dma source(%dma_start3A_72 : memref<10000x144xf32, #tpu.memory_space<hbm>>) target(%arg10 : memref<40x144xf32, #tpu.memory_space<vmem>>) offsets(%dma_start3A_69 : memref<40xi32, #tpu.memory_space<vmem>>) semaphore(%arg13 : memref<!tpu.dma_semaphore, #tpu.memory_space<semaphore_mem>>)
    }
    %scan3A_20 = arith.constant 125 : i32
    %dma_wait3A = arith.constant 0 : i32
    %dma_wait3A_21 = arith.constant 0 : i32
    %dma_wait3A_22 = tpu.memref_slice %arg7[%dma_wait3A, %dma_wait3A_21] : memref<250x40xi32, #tpu.memory_space<vmem>> -> memref<1x40xi32, #tpu.memory_space<vmem>>
    %dma_wait3A_23 = tpu.memref_squeeze %dma_wait3A_22 : memref<1x40xi32, #tpu.memory_space<vmem>> -> memref<40xi32, #tpu.memory_space<vmem>>
    %dma_wait3A_24 = arith.constant 0 : i32
    %dma_wait3A_25 = arith.constant 0 : i32
    %dma_wait3A_26 = tpu.memref_slice %arg2[%dma_wait3A_24, %dma_wait3A_25] : memref<10000x144xf32, #tpu.memory_space<hbm>> -> memref<10000x144xf32, #tpu.memory_space<hbm>>
    tpu.wait_indirect_dma semaphore(%arg13 : memref<!tpu.dma_semaphore, #tpu.memory_space<semaphore_mem>>) src(%dma_wait3A_26 : memref<10000x144xf32, #tpu.memory_space<hbm>>) dst(%arg10 : memref<40x144xf32, #tpu.memory_space<vmem>>)
    %dma_wait3A_27 = arith.constant 0 : i32
    %dma_wait3A_28 = arith.constant 0 : i32
    %dma_wait3A_29 = tpu.memref_slice %arg7[%dma_wait3A_27, %dma_wait3A_28] : memref<250x40xi32, #tpu.memory_space<vmem>> -> memref<1x40xi32, #tpu.memory_space<vmem>>
    %dma_wait3A_30 = tpu.memref_squeeze %dma_wait3A_29 : memref<1x40xi32, #tpu.memory_space<vmem>> -> memref<40xi32, #tpu.memory_space<vmem>>
    %dma_wait3A_31 = arith.constant 0 : i32
    %dma_wait3A_32 = arith.constant 0 : i32
    %dma_wait3A_33 = tpu.memref_slice %arg2[%dma_wait3A_31, %dma_wait3A_32] : memref<10000x144xf32, #tpu.memory_space<hbm>> -> memref<10000x144xf32, #tpu.memory_space<hbm>>
    tpu.wait_indirect_dma semaphore(%arg12 : memref<!tpu.dma_semaphore, #tpu.memory_space<semaphore_mem>>) src(%dma_wait3A_33 : memref<10000x144xf32, #tpu.memory_space<hbm>>) dst(%arg9 : memref<40x144xf32, #tpu.memory_space<vmem>>)
    %barrier3A_34 = arith.constant 0 : index
    tpu.barrier barrier_id(%barrier3A_34)
    "tpu.region"() ({
      %run_scoped3A = tpu.sem_alloc : memref<!tpu.dma_semaphore, #tpu.memory_space<semaphore_mem>>
      %dma_start3A_35 = arith.constant 0 : i32
      %dma_start3A_36 = tpu.memref_slice %arg6[%arg0, %mul3A_2, %dma_start3A_35] : memref<2x10000x144xf32, #tpu.memory_space<hbm>> -> memref<1x625x144xf32, #tpu.memory_space<hbm>>
      %dma_start3A_37 = tpu.memref_squeeze %dma_start3A_36 : memref<1x625x144xf32, #tpu.memory_space<hbm>> -> memref<625x144xf32, #tpu.memory_space<hbm>>
      %dma_start3A_38 = arith.constant 0 : i32
      %dma_start3A_39 = tpu.memref_slice %arg11[%mul3A_2, %dma_start3A_38] : memref<10000x144xf32, #tpu.memory_space<vmem_shared>> -> memref<625x144xf32, #tpu.memory_space<vmem_shared>>
      tpu.enqueue_dma source(%dma_start3A_39 : memref<625x144xf32, #tpu.memory_space<vmem_shared>>) target(%dma_start3A_37 : memref<625x144xf32, #tpu.memory_space<hbm>>) target_semaphore(%run_scoped3A : memref<!tpu.dma_semaphore, #tpu.memory_space<semaphore_mem>>)
      %dma_wait3A_40 = arith.constant 0 : i32
      %dma_wait3A_41 = tpu.memref_slice %arg6[%arg0, %mul3A_2, %dma_wait3A_40] : memref<2x10000x144xf32, #tpu.memory_space<hbm>> -> memref<1x625x144xf32, #tpu.memory_space<hbm>>
      %dma_wait3A_42 = tpu.memref_squeeze %dma_wait3A_41 : memref<1x625x144xf32, #tpu.memory_space<hbm>> -> memref<625x144xf32, #tpu.memory_space<hbm>>
      %dma_wait3A_43 = arith.constant 0 : i32
      %dma_wait3A_44 = tpu.memref_slice %arg11[%mul3A_2, %dma_wait3A_43] : memref<10000x144xf32, #tpu.memory_space<vmem_shared>> -> memref<625x144xf32, #tpu.memory_space<vmem_shared>>
      tpu.wait_dma2 semaphore(%run_scoped3A : memref<!tpu.dma_semaphore, #tpu.memory_space<semaphore_mem>>) src(%dma_wait3A_44 : memref<625x144xf32, #tpu.memory_space<vmem_shared>>) dst(%dma_wait3A_42 : memref<625x144xf32, #tpu.memory_space<hbm>>)
      tpu.yield
    }) : () -> ()
    return
  }
}

#map = affine_map<(d0, d1) -> (0, 0)>
#map1 = affine_map<(d0, d1) -> (0, 0, 0)>
module attributes {stable_mosaic.version = 14 : i64} {
  func.func @k(%arg0: i32, %arg1: i32, %arg2: memref<10000x16xf32, #tpu.memory_space<hbm>>, %arg3: memref<32x250x40xi32, #tpu.memory_space<hbm>>, %arg4: memref<32x250x40xi32, #tpu.memory_space<hbm>>, %arg5: memref<10000x16xf32, #tpu.memory_space<hbm>>, %arg6: memref<2x10000x16xf32, #tpu.memory_space<hbm>>, %arg7: memref<250x40xi32, #tpu.memory_space<vmem>>, %arg8: memref<250x40xi32, #tpu.memory_space<vmem>>, %arg9: memref<40x16xf32, #tpu.memory_space<vmem>>, %arg10: memref<40x16xf32, #tpu.memory_space<vmem>>, %arg11: memref<10000x16xf32, #tpu.memory_space<vmem_shared>>, %arg12: memref<!tpu.dma_semaphore, #tpu.memory_space<semaphore_mem>>, %arg13: memref<!tpu.dma_semaphore, #tpu.memory_space<semaphore_mem>>) attributes {dimension_semantics = [#tpu.dimension_semantics<core_parallel>, #tpu.dimension_semantics<subcore_parallel>], iteration_bounds = array<i64: 2, 16>, scalar_prefetch = 0 : i64, scratch_operands = 7 : i64, tpu.core_type = #tpu.core_type<sc_vector_subcore>, window_params = [{transform_indices = #map}, {transform_indices = #map1}, {transform_indices = #map1}, {transform_indices = #map}, {transform_indices = #map1}]} {
    %mul3A = arith.constant 2 : i32
    %mul3A_0 = arith.muli %arg1, %mul3A : i32
    %add3A = arith.addi %mul3A_0, %arg0 : i32
    %mul3A_1 = arith.constant 625 : i32
    %mul3A_2 = arith.muli %arg1, %mul3A_1 : i32
    "tpu.region"() ({
      %run_scoped3A = tpu.sem_alloc : memref<!tpu.dma_semaphore, #tpu.memory_space<semaphore_mem>>
      %dma_start3A_35 = arith.constant 0 : i32
      %dma_start3A_36 = tpu.memref_slice %arg11[%mul3A_2, %dma_start3A_35] : memref<10000x16xf32, #tpu.memory_space<vmem_shared>> -> memref<625x16xf32, #tpu.memory_space<vmem_shared>>
      %dma_start3A_37 = arith.constant 0 : i32
      %dma_start3A_38 = tpu.memref_slice %arg5[%mul3A_2, %dma_start3A_37] : memref<10000x16xf32, #tpu.memory_space<hbm>> -> memref<625x16xf32, #tpu.memory_space<hbm>>
      tpu.enqueue_dma source(%dma_start3A_38 : memref<625x16xf32, #tpu.memory_space<hbm>>) target(%dma_start3A_36 : memref<625x16xf32, #tpu.memory_space<vmem_shared>>) target_semaphore(%run_scoped3A : memref<!tpu.dma_semaphore, #tpu.memory_space<semaphore_mem>>)
      %dma_wait3A_39 = arith.constant 0 : i32
      %dma_wait3A_40 = tpu.memref_slice %arg11[%mul3A_2, %dma_wait3A_39] : memref<10000x16xf32, #tpu.memory_space<vmem_shared>> -> memref<625x16xf32, #tpu.memory_space<vmem_shared>>
      %dma_wait3A_41 = arith.constant 0 : i32
      %dma_wait3A_42 = tpu.memref_slice %arg5[%mul3A_2, %dma_wait3A_41] : memref<10000x16xf32, #tpu.memory_space<hbm>> -> memref<625x16xf32, #tpu.memory_space<hbm>>
      tpu.wait_dma2 semaphore(%run_scoped3A : memref<!tpu.dma_semaphore, #tpu.memory_space<semaphore_mem>>) src(%dma_wait3A_42 : memref<625x16xf32, #tpu.memory_space<hbm>>) dst(%dma_wait3A_40 : memref<625x16xf32, #tpu.memory_space<vmem_shared>>)
      tpu.yield
    }) : () -> ()
    "tpu.region"() ({
      %run_scoped3A = tpu.sem_alloc : memref<!tpu.dma_semaphore, #tpu.memory_space<semaphore_mem>>
      %dma_start3A_35 = arith.constant 0 : i32
      %dma_start3A_36 = arith.constant 0 : i32
      %dma_start3A_37 = tpu.memref_slice %arg3[%add3A, %dma_start3A_35, %dma_start3A_36] : memref<32x250x40xi32, #tpu.memory_space<hbm>> -> memref<1x250x40xi32, #tpu.memory_space<hbm>>
      %dma_start3A_38 = tpu.memref_squeeze %dma_start3A_37 : memref<1x250x40xi32, #tpu.memory_space<hbm>> -> memref<250x40xi32, #tpu.memory_space<hbm>>
      %dma_start3A_39 = arith.constant 0 : i32
      %dma_start3A_40 = arith.constant 0 : i32
      %dma_start3A_41 = tpu.memref_slice %arg3[%add3A, %dma_start3A_39, %dma_start3A_40] : memref<32x250x40xi32, #tpu.memory_space<hbm>> -> memref<1x250x40xi32, #tpu.memory_space<hbm>>
      %dma_start3A_42 = tpu.memref_squeeze %dma_start3A_41 : memref<1x250x40xi32, #tpu.memory_space<hbm>> -> memref<250x40xi32, #tpu.memory_space<hbm>>
      tpu.enqueue_dma source(%dma_start3A_42 : memref<250x40xi32, #tpu.memory_space<hbm>>) target(%arg7 : memref<250x40xi32, #tpu.memory_space<vmem>>) target_semaphore(%run_scoped3A : memref<!tpu.dma_semaphore, #tpu.memory_space<semaphore_mem>>)
      %dma_wait3A_43 = arith.constant 0 : i32
      %dma_wait3A_44 = arith.constant 0 : i32
      %dma_wait3A_45 = tpu.memref_slice %arg3[%add3A, %dma_wait3A_43, %dma_wait3A_44] : memref<32x250x40xi32, #tpu.memory_space<hbm>> -> memref<1x250x40xi32, #tpu.memory_space<hbm>>
      %dma_wait3A_46 = tpu.memref_squeeze %dma_wait3A_45 : memref<1x250x40xi32, #tpu.memory_space<hbm>> -> memref<250x40xi32, #tpu.memory_space<hbm>>
      %dma_wait3A_47 = arith.constant 0 : i32
      %dma_wait3A_48 = arith.constant 0 : i32
      %dma_wait3A_49 = tpu.memref_slice %arg3[%add3A, %dma_wait3A_47, %dma_wait3A_48] : memref<32x250x40xi32, #tpu.memory_space<hbm>> -> memref<1x250x40xi32, #tpu.memory_space<hbm>>
      %dma_wait3A_50 = tpu.memref_squeeze %dma_wait3A_49 : memref<1x250x40xi32, #tpu.memory_space<hbm>> -> memref<250x40xi32, #tpu.memory_space<hbm>>
      tpu.wait_dma2 semaphore(%run_scoped3A : memref<!tpu.dma_semaphore, #tpu.memory_space<semaphore_mem>>) src(%dma_wait3A_50 : memref<250x40xi32, #tpu.memory_space<hbm>>) dst(%arg7 : memref<250x40xi32, #tpu.memory_space<vmem>>)
      tpu.yield
    }) : () -> ()
    "tpu.region"() ({
      %run_scoped3A = tpu.sem_alloc : memref<!tpu.dma_semaphore, #tpu.memory_space<semaphore_mem>>
      %dma_start3A_35 = arith.constant 0 : i32
      %dma_start3A_36 = arith.constant 0 : i32
      %dma_start3A_37 = tpu.memref_slice %arg4[%add3A, %dma_start3A_35, %dma_start3A_36] : memref<32x250x40xi32, #tpu.memory_space<hbm>> -> memref<1x250x40xi32, #tpu.memory_space<hbm>>
      %dma_start3A_38 = tpu.memref_squeeze %dma_start3A_37 : memref<1x250x40xi32, #tpu.memory_space<hbm>> -> memref<250x40xi32, #tpu.memory_space<hbm>>
      %dma_start3A_39 = arith.constant 0 : i32
      %dma_start3A_40 = arith.constant 0 : i32
      %dma_start3A_41 = tpu.memref_slice %arg4[%add3A, %dma_start3A_39, %dma_start3A_40] : memref<32x250x40xi32, #tpu.memory_space<hbm>> -> memref<1x250x40xi32, #tpu.memory_space<hbm>>
      %dma_start3A_42 = tpu.memref_squeeze %dma_start3A_41 : memref<1x250x40xi32, #tpu.memory_space<hbm>> -> memref<250x40xi32, #tpu.memory_space<hbm>>
      tpu.enqueue_dma source(%dma_start3A_42 : memref<250x40xi32, #tpu.memory_space<hbm>>) target(%arg8 : memref<250x40xi32, #tpu.memory_space<vmem>>) target_semaphore(%run_scoped3A : memref<!tpu.dma_semaphore, #tpu.memory_space<semaphore_mem>>)
      %dma_wait3A_43 = arith.constant 0 : i32
      %dma_wait3A_44 = arith.constant 0 : i32
      %dma_wait3A_45 = tpu.memref_slice %arg4[%add3A, %dma_wait3A_43, %dma_wait3A_44] : memref<32x250x40xi32, #tpu.memory_space<hbm>> -> memref<1x250x40xi32, #tpu.memory_space<hbm>>
      %dma_wait3A_46 = tpu.memref_squeeze %dma_wait3A_45 : memref<1x250x40xi32, #tpu.memory_space<hbm>> -> memref<250x40xi32, #tpu.memory_space<hbm>>
      %dma_wait3A_47 = arith.constant 0 : i32
      %dma_wait3A_48 = arith.constant 0 : i32
      %dma_wait3A_49 = tpu.memref_slice %arg4[%add3A, %dma_wait3A_47, %dma_wait3A_48] : memref<32x250x40xi32, #tpu.memory_space<hbm>> -> memref<1x250x40xi32, #tpu.memory_space<hbm>>
      %dma_wait3A_50 = tpu.memref_squeeze %dma_wait3A_49 : memref<1x250x40xi32, #tpu.memory_space<hbm>> -> memref<250x40xi32, #tpu.memory_space<hbm>>
      tpu.wait_dma2 semaphore(%run_scoped3A : memref<!tpu.dma_semaphore, #tpu.memory_space<semaphore_mem>>) src(%dma_wait3A_50 : memref<250x40xi32, #tpu.memory_space<hbm>>) dst(%arg8 : memref<250x40xi32, #tpu.memory_space<vmem>>)
      tpu.yield
    }) : () -> ()
    %barrier3A = arith.constant 0 : index
    tpu.barrier barrier_id(%barrier3A)
    %dma_start3A = arith.constant 0 : i32
    %dma_start3A_3 = arith.constant 0 : i32
    %dma_start3A_4 = tpu.memref_slice %arg7[%dma_start3A, %dma_start3A_3] : memref<250x40xi32, #tpu.memory_space<vmem>> -> memref<1x40xi32, #tpu.memory_space<vmem>>
    %dma_start3A_5 = tpu.memref_squeeze %dma_start3A_4 : memref<1x40xi32, #tpu.memory_space<vmem>> -> memref<40xi32, #tpu.memory_space<vmem>>
    %dma_start3A_6 = arith.constant 0 : i32
    %dma_start3A_7 = arith.constant 0 : i32
    %dma_start3A_8 = tpu.memref_slice %arg2[%dma_start3A_6, %dma_start3A_7] : memref<10000x16xf32, #tpu.memory_space<hbm>> -> memref<10000x16xf32, #tpu.memory_space<hbm>>
    tpu.enqueue_indirect_dma source(%dma_start3A_8 : memref<10000x16xf32, #tpu.memory_space<hbm>>) target(%arg9 : memref<40x16xf32, #tpu.memory_space<vmem>>) offsets(%dma_start3A_5 : memref<40xi32, #tpu.memory_space<vmem>>) semaphore(%arg12 : memref<!tpu.dma_semaphore, #tpu.memory_space<semaphore_mem>>)
    %dma_start3A_9 = arith.constant 1 : i32
    %dma_start3A_10 = arith.constant 0 : i32
    %dma_start3A_11 = tpu.memref_slice %arg7[%dma_start3A_9, %dma_start3A_10] : memref<250x40xi32, #tpu.memory_space<vmem>> -> memref<1x40xi32, #tpu.memory_space<vmem>>
    %dma_start3A_12 = tpu.memref_squeeze %dma_start3A_11 : memref<1x40xi32, #tpu.memory_space<vmem>> -> memref<40xi32, #tpu.memory_space<vmem>>
    %dma_start3A_13 = arith.constant 0 : i32
    %dma_start3A_14 = arith.constant 0 : i32
    %dma_start3A_15 = tpu.memref_slice %arg2[%dma_start3A_13, %dma_start3A_14] : memref<10000x16xf32, #tpu.memory_space<hbm>> -> memref<10000x16xf32, #tpu.memory_space<hbm>>
    tpu.enqueue_indirect_dma source(%dma_start3A_15 : memref<10000x16xf32, #tpu.memory_space<hbm>>) target(%arg10 : memref<40x16xf32, #tpu.memory_space<vmem>>) offsets(%dma_start3A_12 : memref<40xi32, #tpu.memory_space<vmem>>) semaphore(%arg13 : memref<!tpu.dma_semaphore, #tpu.memory_space<semaphore_mem>>)
    %scan3A = arith.constant 0 : i32
    %scan3A_16 = arith.constant 0 : i32
    %scan3A_17 = arith.constant 125 : i32
    %scan3A_18 = arith.addi %scan3A_16, %scan3A_17 : i32
    %scan3A_19 = arith.constant 1 : i32
    scf.for %scan3A_35 = %scan3A_16 to %scan3A_18 step %scan3A_19  : i32 {
      %mul3A_36 = arith.constant 2 : i32
      %mul3A_37 = arith.muli %mul3A_36, %scan3A_35 : i32
      %dma_wait3A_38 = arith.constant 0 : i32
      %dma_wait3A_39 = arith.constant 0 : i32
      %dma_wait3A_40 = tpu.memref_slice %arg7[%dma_wait3A_38, %dma_wait3A_39] : memref<250x40xi32, #tpu.memory_space<vmem>> -> memref<1x40xi32, #tpu.memory_space<vmem>>
      %dma_wait3A_41 = tpu.memref_squeeze %dma_wait3A_40 : memref<1x40xi32, #tpu.memory_space<vmem>> -> memref<40xi32, #tpu.memory_space<vmem>>
      %dma_wait3A_42 = arith.constant 0 : i32
      %dma_wait3A_43 = arith.constant 0 : i32
      %dma_wait3A_44 = tpu.memref_slice %arg2[%dma_wait3A_42, %dma_wait3A_43] : memref<10000x16xf32, #tpu.memory_space<hbm>> -> memref<10000x16xf32, #tpu.memory_space<hbm>>
      tpu.wait_indirect_dma semaphore(%arg12 : memref<!tpu.dma_semaphore, #tpu.memory_space<semaphore_mem>>) src(%dma_wait3A_44 : memref<10000x16xf32, #tpu.memory_space<hbm>>) dst(%arg9 : memref<40x16xf32, #tpu.memory_space<vmem>>)
      "tpu.region"() ({
        %run_scoped3A = tpu.sem_alloc : memref<!tpu.dma_semaphore, #tpu.memory_space<semaphore_mem>>
        %dma_start3A_73 = arith.constant 0 : i32
        %dma_start3A_74 = tpu.memref_slice %arg8[%mul3A_37, %dma_start3A_73] : memref<250x40xi32, #tpu.memory_space<vmem>> -> memref<1x40xi32, #tpu.memory_space<vmem>>
        %dma_start3A_75 = tpu.memref_squeeze %dma_start3A_74 : memref<1x40xi32, #tpu.memory_space<vmem>> -> memref<40xi32, #tpu.memory_space<vmem>>
        %dma_start3A_76 = arith.constant 0 : i32
        %dma_start3A_77 = arith.constant 0 : i32
        %dma_start3A_78 = tpu.memref_slice %arg11[%dma_start3A_76, %dma_start3A_77] : memref<10000x16xf32, #tpu.memory_space<vmem_shared>> -> memref<10000x16xf32, #tpu.memory_space<vmem_shared>>
        tpu.enqueue_indirect_dma source(%arg9 : memref<40x16xf32, #tpu.memory_space<vmem>>) target(%dma_start3A_78 : memref<10000x16xf32, #tpu.memory_space<vmem_shared>>) offsets(%dma_start3A_75 : memref<40xi32, #tpu.memory_space<vmem>>) semaphore(%run_scoped3A : memref<!tpu.dma_semaphore, #tpu.memory_space<semaphore_mem>>) {add = true}
        %dma_wait3A_79 = arith.constant 0 : i32
        %dma_wait3A_80 = tpu.memref_slice %arg8[%mul3A_37, %dma_wait3A_79] : memref<250x40xi32, #tpu.memory_space<vmem>> -> memref<1x40xi32, #tpu.memory_space<vmem>>
        %dma_wait3A_81 = tpu.memref_squeeze %dma_wait3A_80 : memref<1x40xi32, #tpu.memory_space<vmem>> -> memref<40xi32, #tpu.memory_space<vmem>>
        %dma_wait3A_82 = arith.constant 0 : i32
        %dma_wait3A_83 = arith.constant 0 : i32
        %dma_wait3A_84 = tpu.memref_slice %arg11[%dma_wait3A_82, %dma_wait3A_83] : memref<10000x16xf32, #tpu.memory_space<vmem_shared>> -> memref<10000x16xf32, #tpu.memory_space<vmem_shared>>
        tpu.wait_indirect_dma semaphore(%run_scoped3A : memref<!tpu.dma_semaphore, #tpu.memory_space<semaphore_mem>>) src(%arg9 : memref<40x16xf32, #tpu.memory_space<vmem>>) dst(%dma_wait3A_84 : memref<10000x16xf32, #tpu.memory_space<vmem_shared>>)
        tpu.yield
      }) : () -> ()
      %add3A_45 = arith.constant 2 : i32
      %add3A_46 = arith.addi %mul3A_37, %add3A_45 : i32
      %min3A = arith.constant 249 : i32
      %min3A_47 = arith.minsi %add3A_46, %min3A : i32
      %dma_start3A_48 = arith.constant 0 : i32
      %dma_start3A_49 = tpu.memref_slice %arg7[%min3A_47, %dma_start3A_48] : memref<250x40xi32, #tpu.memory_space<vmem>> -> memref<1x40xi32, #tpu.memory_space<vmem>>
      %dma_start3A_50 = tpu.memref_squeeze %dma_start3A_49 : memref<1x40xi32, #tpu.memory_space<vmem>> -> memref<40xi32, #tpu.memory_space<vmem>>
      %dma_start3A_51 = arith.constant 0 : i32
      %dma_start3A_52 = arith.constant 0 : i32
      %dma_start3A_53 = tpu.memref_slice %arg2[%dma_start3A_51, %dma_start3A_52] : memref<10000x16xf32, #tpu.memory_space<hbm>> -> memref<10000x16xf32, #tpu.memory_space<hbm>>
      tpu.enqueue_indirect_dma source(%dma_start3A_53 : memref<10000x16xf32, #tpu.memory_space<hbm>>) target(%arg9 : memref<40x16xf32, #tpu.memory_space<vmem>>) offsets(%dma_start3A_50 : memref<40xi32, #tpu.memory_space<vmem>>) semaphore(%arg12 : memref<!tpu.dma_semaphore, #tpu.memory_space<semaphore_mem>>)
      %dma_wait3A_54 = arith.constant 0 : i32
      %dma_wait3A_55 = arith.constant 0 : i32
      %dma_wait3A_56 = tpu.memref_slice %arg7[%dma_wait3A_54, %dma_wait3A_55] : memref<250x40xi32, #tpu.memory_space<vmem>> -> memref<1x40xi32, #tpu.memory_space<vmem>>
      %dma_wait3A_57 = tpu.memref_squeeze %dma_wait3A_56 : memref<1x40xi32, #tpu.memory_space<vmem>> -> memref<40xi32, #tpu.memory_space<vmem>>
      %dma_wait3A_58 = arith.constant 0 : i32
      %dma_wait3A_59 = arith.constant 0 : i32
      %dma_wait3A_60 = tpu.memref_slice %arg2[%dma_wait3A_58, %dma_wait3A_59] : memref<10000x16xf32, #tpu.memory_space<hbm>> -> memref<10000x16xf32, #tpu.memory_space<hbm>>
      tpu.wait_indirect_dma semaphore(%arg13 : memref<!tpu.dma_semaphore, #tpu.memory_space<semaphore_mem>>) src(%dma_wait3A_60 : memref<10000x16xf32, #tpu.memory_space<hbm>>) dst(%arg10 : memref<40x16xf32, #tpu.memory_space<vmem>>)
      %add3A_61 = arith.constant 1 : i32
      %add3A_62 = arith.addi %mul3A_37, %add3A_61 : i32
      "tpu.region"() ({
        %run_scoped3A = tpu.sem_alloc : memref<!tpu.dma_semaphore, #tpu.memory_space<semaphore_mem>>
        %dma_start3A_73 = arith.constant 0 : i32
        %dma_start3A_74 = tpu.memref_slice %arg8[%add3A_62, %dma_start3A_73] : memref<250x40xi32, #tpu.memory_space<vmem>> -> memref<1x40xi32, #tpu.memory_space<vmem>>
        %dma_start3A_75 = tpu.memref_squeeze %dma_start3A_74 : memref<1x40xi32, #tpu.memory_space<vmem>> -> memref<40xi32, #tpu.memory_space<vmem>>
        %dma_start3A_76 = arith.constant 0 : i32
        %dma_start3A_77 = arith.constant 0 : i32
        %dma_start3A_78 = tpu.memref_slice %arg11[%dma_start3A_76, %dma_start3A_77] : memref<10000x16xf32, #tpu.memory_space<vmem_shared>> -> memref<10000x16xf32, #tpu.memory_space<vmem_shared>>
        tpu.enqueue_indirect_dma source(%arg10 : memref<40x16xf32, #tpu.memory_space<vmem>>) target(%dma_start3A_78 : memref<10000x16xf32, #tpu.memory_space<vmem_shared>>) offsets(%dma_start3A_75 : memref<40xi32, #tpu.memory_space<vmem>>) semaphore(%run_scoped3A : memref<!tpu.dma_semaphore, #tpu.memory_space<semaphore_mem>>) {add = true}
        %dma_wait3A_79 = arith.constant 0 : i32
        %dma_wait3A_80 = tpu.memref_slice %arg8[%add3A_62, %dma_wait3A_79] : memref<250x40xi32, #tpu.memory_space<vmem>> -> memref<1x40xi32, #tpu.memory_space<vmem>>
        %dma_wait3A_81 = tpu.memref_squeeze %dma_wait3A_80 : memref<1x40xi32, #tpu.memory_space<vmem>> -> memref<40xi32, #tpu.memory_space<vmem>>
        %dma_wait3A_82 = arith.constant 0 : i32
        %dma_wait3A_83 = arith.constant 0 : i32
        %dma_wait3A_84 = tpu.memref_slice %arg11[%dma_wait3A_82, %dma_wait3A_83] : memref<10000x16xf32, #tpu.memory_space<vmem_shared>> -> memref<10000x16xf32, #tpu.memory_space<vmem_shared>>
        tpu.wait_indirect_dma semaphore(%run_scoped3A : memref<!tpu.dma_semaphore, #tpu.memory_space<semaphore_mem>>) src(%arg10 : memref<40x16xf32, #tpu.memory_space<vmem>>) dst(%dma_wait3A_84 : memref<10000x16xf32, #tpu.memory_space<vmem_shared>>)
        tpu.yield
      }) : () -> ()
      %add3A_63 = arith.constant 3 : i32
      %add3A_64 = arith.addi %mul3A_37, %add3A_63 : i32
      %min3A_65 = arith.constant 249 : i32
      %min3A_66 = arith.minsi %add3A_64, %min3A_65 : i32
      %dma_start3A_67 = arith.constant 0 : i32
      %dma_start3A_68 = tpu.memref_slice %arg7[%min3A_66, %dma_start3A_67] : memref<250x40xi32, #tpu.memory_space<vmem>> -> memref<1x40xi32, #tpu.memory_space<vmem>>
      %dma_start3A_69 = tpu.memref_squeeze %dma_start3A_68 : memref<1x40xi32, #tpu.memory_space<vmem>> -> memref<40xi32, #tpu.memory_space<vmem>>
      %dma_start3A_70 = arith.constant 0 : i32
      %dma_start3A_71 = arith.constant 0 : i32
      %dma_start3A_72 = tpu.memref_slice %arg2[%dma_start3A_70, %dma_start3A_71] : memref<10000x16xf32, #tpu.memory_space<hbm>> -> memref<10000x16xf32, #tpu.memory_space<hbm>>
      tpu.enqueue_indirect_dma source(%dma_start3A_72 : memref<10000x16xf32, #tpu.memory_space<hbm>>) target(%arg10 : memref<40x16xf32, #tpu.memory_space<vmem>>) offsets(%dma_start3A_69 : memref<40xi32, #tpu.memory_space<vmem>>) semaphore(%arg13 : memref<!tpu.dma_semaphore, #tpu.memory_space<semaphore_mem>>)
    }
    %scan3A_20 = arith.constant 125 : i32
    %dma_wait3A = arith.constant 0 : i32
    %dma_wait3A_21 = arith.constant 0 : i32
    %dma_wait3A_22 = tpu.memref_slice %arg7[%dma_wait3A, %dma_wait3A_21] : memref<250x40xi32, #tpu.memory_space<vmem>> -> memref<1x40xi32, #tpu.memory_space<vmem>>
    %dma_wait3A_23 = tpu.memref_squeeze %dma_wait3A_22 : memref<1x40xi32, #tpu.memory_space<vmem>> -> memref<40xi32, #tpu.memory_space<vmem>>
    %dma_wait3A_24 = arith.constant 0 : i32
    %dma_wait3A_25 = arith.constant 0 : i32
    %dma_wait3A_26 = tpu.memref_slice %arg2[%dma_wait3A_24, %dma_wait3A_25] : memref<10000x16xf32, #tpu.memory_space<hbm>> -> memref<10000x16xf32, #tpu.memory_space<hbm>>
    tpu.wait_indirect_dma semaphore(%arg13 : memref<!tpu.dma_semaphore, #tpu.memory_space<semaphore_mem>>) src(%dma_wait3A_26 : memref<10000x16xf32, #tpu.memory_space<hbm>>) dst(%arg10 : memref<40x16xf32, #tpu.memory_space<vmem>>)
    %dma_wait3A_27 = arith.constant 0 : i32
    %dma_wait3A_28 = arith.constant 0 : i32
    %dma_wait3A_29 = tpu.memref_slice %arg7[%dma_wait3A_27, %dma_wait3A_28] : memref<250x40xi32, #tpu.memory_space<vmem>> -> memref<1x40xi32, #tpu.memory_space<vmem>>
    %dma_wait3A_30 = tpu.memref_squeeze %dma_wait3A_29 : memref<1x40xi32, #tpu.memory_space<vmem>> -> memref<40xi32, #tpu.memory_space<vmem>>
    %dma_wait3A_31 = arith.constant 0 : i32
    %dma_wait3A_32 = arith.constant 0 : i32
    %dma_wait3A_33 = tpu.memref_slice %arg2[%dma_wait3A_31, %dma_wait3A_32] : memref<10000x16xf32, #tpu.memory_space<hbm>> -> memref<10000x16xf32, #tpu.memory_space<hbm>>
    tpu.wait_indirect_dma semaphore(%arg12 : memref<!tpu.dma_semaphore, #tpu.memory_space<semaphore_mem>>) src(%dma_wait3A_33 : memref<10000x16xf32, #tpu.memory_space<hbm>>) dst(%arg9 : memref<40x16xf32, #tpu.memory_space<vmem>>)
    %barrier3A_34 = arith.constant 0 : index
    tpu.barrier barrier_id(%barrier3A_34)
    "tpu.region"() ({
      %run_scoped3A = tpu.sem_alloc : memref<!tpu.dma_semaphore, #tpu.memory_space<semaphore_mem>>
      %dma_start3A_35 = arith.constant 0 : i32
      %dma_start3A_36 = tpu.memref_slice %arg6[%arg0, %mul3A_2, %dma_start3A_35] : memref<2x10000x16xf32, #tpu.memory_space<hbm>> -> memref<1x625x16xf32, #tpu.memory_space<hbm>>
      %dma_start3A_37 = tpu.memref_squeeze %dma_start3A_36 : memref<1x625x16xf32, #tpu.memory_space<hbm>> -> memref<625x16xf32, #tpu.memory_space<hbm>>
      %dma_start3A_38 = arith.constant 0 : i32
      %dma_start3A_39 = tpu.memref_slice %arg11[%mul3A_2, %dma_start3A_38] : memref<10000x16xf32, #tpu.memory_space<vmem_shared>> -> memref<625x16xf32, #tpu.memory_space<vmem_shared>>
      tpu.enqueue_dma source(%dma_start3A_39 : memref<625x16xf32, #tpu.memory_space<vmem_shared>>) target(%dma_start3A_37 : memref<625x16xf32, #tpu.memory_space<hbm>>) target_semaphore(%run_scoped3A : memref<!tpu.dma_semaphore, #tpu.memory_space<semaphore_mem>>)
      %dma_wait3A_40 = arith.constant 0 : i32
      %dma_wait3A_41 = tpu.memref_slice %arg6[%arg0, %mul3A_2, %dma_wait3A_40] : memref<2x10000x16xf32, #tpu.memory_space<hbm>> -> memref<1x625x16xf32, #tpu.memory_space<hbm>>
      %dma_wait3A_42 = tpu.memref_squeeze %dma_wait3A_41 : memref<1x625x16xf32, #tpu.memory_space<hbm>> -> memref<625x16xf32, #tpu.memory_space<hbm>>
      %dma_wait3A_43 = arith.constant 0 : i32
      %dma_wait3A_44 = tpu.memref_slice %arg11[%mul3A_2, %dma_wait3A_43] : memref<10000x16xf32, #tpu.memory_space<vmem_shared>> -> memref<625x16xf32, #tpu.memory_space<vmem_shared>>
      tpu.wait_dma2 semaphore(%run_scoped3A : memref<!tpu.dma_semaphore, #tpu.memory_space<semaphore_mem>>) src(%dma_wait3A_44 : memref<625x16xf32, #tpu.memory_space<vmem_shared>>) dst(%dma_wait3A_42 : memref<625x16xf32, #tpu.memory_space<hbm>>)
      tpu.yield
    }) : () -> ()
    return
  }
}

module attributes {stable_mosaic.version = 14 : i64} {
  func.func @_k1_body(%arg0: i32, %arg1: memref<1000x128xf32, #tpu.memory_space<vmem>>, %arg2: memref<1000x144xf32, #tpu.memory_space<vmem>>) attributes {dimension_semantics = [#tpu.dimension_semantics<arbitrary>], iteration_bounds = array<i64: 10>, scalar_prefetch = 0 : i64, scratch_operands = 0 : i64, tpu.core_type = #tpu.core_type<tc>, window_params = [{transform_indices = @transform_0, window_bounds = array<i64: 1000, 128>}, {transform_indices = @transform_1, window_bounds = array<i64: 1000, 144>}]} {
    %get3A = arith.constant 0 : index
    %get3A_0 = arith.constant 0 : index
    %get3A_1 = vector.load %arg1[%get3A, %get3A_0] : memref<1000x128xf32, #tpu.memory_space<vmem>>, vector<1000x128xf32>
    %mul3A = arith.mulf %get3A_1, %get3A_1 : vector<1000x128xf32>
    %reduce_sum3A = arith.constant dense<0.000000e+00> : vector<1000xf32>
    %reduce_sum3A_2 = vector.multi_reduction <add>, %mul3A, %reduce_sum3A [1] : vector<1000x128xf32> to vector<1000xf32>
    %broadcast_in_dim3A = vector.shape_cast %reduce_sum3A_2 : vector<1000xf32> to vector<1000x1xf32>
    %sqrt3A = math.sqrt %broadcast_in_dim3A : vector<1000x1xf32>
    %max3A = arith.constant 9.99999996E-13 : f32
    %max3A_3 = vector.broadcast %max3A : f32 to vector<1000x1xf32>
    %max3A_4 = arith.maximumf %sqrt3A, %max3A_3 : vector<1000x1xf32>
    %div3A = vector.broadcast %max3A_4 : vector<1000x1xf32> to vector<1000x128xf32>
    %div3A_5 = arith.divf %get3A_1, %div3A : vector<1000x128xf32>
    %broadcast_in_dim3A_6 = arith.constant 1.000000e+00 : f32
    %broadcast_in_dim3A_7 = vector.broadcast %broadcast_in_dim3A_6 : f32 to vector<1000x1xf32>
    %broadcast_in_dim3A_8 = arith.constant 0.000000e+00 : f32
    %broadcast_in_dim3A_9 = vector.broadcast %broadcast_in_dim3A_8 : f32 to vector<1000x15xf32>
    %concatenate3A = tpu.concatenate %div3A_5, %broadcast_in_dim3A_7, %broadcast_in_dim3A_9 in 1 : vector<1000x128xf32>, vector<1000x1xf32>, vector<1000x15xf32> -> vector<1000x144xf32>
    %swap3A = arith.constant 0 : index
    %swap3A_10 = arith.constant 0 : index
    %swap3A_11 = vector.load %arg2[%swap3A, %swap3A_10] : memref<1000x144xf32, #tpu.memory_space<vmem>>, vector<1000x144xf32>
    tpu.vector_store %arg2[%swap3A, %swap3A_10], %concatenate3A {strides = array<i32>} : memref<1000x144xf32, #tpu.memory_space<vmem>>, vector<1000x144xf32>,
    return
  }
  func.func @transform_0(%arg0: i32) -> (i32, i32) {
    %c0_i32 = arith.constant 0 : i32
    %c0_i32_0 = arith.constant 0 : i32
    return %arg0, %c0_i32 : i32, i32
  }
  func.func @transform_1(%arg0: i32) -> (i32, i32) {
    %c0_i32 = arith.constant 0 : i32
    %c0_i32_0 = arith.constant 0 : i32
    return %arg0, %c0_i32 : i32, i32
  }
}

module attributes {stable_mosaic.version = 14 : i64} {
  func.func @_k3_body(%arg0: i32, %arg1: memref<2x1000x144xf32, #tpu.memory_space<vmem>>, %arg2: memref<1000x144xf32, #tpu.memory_space<vmem>>, %arg3: memref<128x128xf32, #tpu.memory_space<vmem>>, %arg4: memref<1x128xf32, #tpu.memory_space<vmem>>, %arg5: memref<128x128xf32, #tpu.memory_space<vmem>>, %arg6: memref<128x128xf32, #tpu.memory_space<vmem>>, %arg7: memref<1x128xf32, #tpu.memory_space<vmem>>, %arg8: memref<128x128xf32, #tpu.memory_space<vmem>>, %arg9: memref<128x2xf32, #tpu.memory_space<vmem>>, %arg10: memref<1x1xf32, #tpu.memory_space<vmem>>, %arg11: memref<1000x16xf32, #tpu.memory_space<vmem>>, %arg12: memref<1000x8xf32, #tpu.memory_space<vmem>>) attributes {dimension_semantics = [#tpu.dimension_semantics<arbitrary>], iteration_bounds = array<i64: 10>, scalar_prefetch = 0 : i64, scratch_operands = 0 : i64, tpu.core_type = #tpu.core_type<tc>, window_params = [{transform_indices = @transform_0, window_bounds = array<i64: 2, 1000, 144>}, {transform_indices = @transform_1, window_bounds = array<i64: 1000, 144>}, {pipeline_mode = #tpu.pipeline_mode<synchronous>, transform_indices = @transform_2, window_bounds = array<i64: 128, 128>}, {pipeline_mode = #tpu.pipeline_mode<synchronous>, transform_indices = @transform_3, window_bounds = array<i64: 1, 128>}, {pipeline_mode = #tpu.pipeline_mode<synchronous>, transform_indices = @transform_4, window_bounds = array<i64: 128, 128>}, {pipeline_mode = #tpu.pipeline_mode<synchronous>, transform_indices = @transform_5, window_bounds = array<i64: 128, 128>}, {pipeline_mode = #tpu.pipeline_mode<synchronous>, transform_indices = @transform_6, window_bounds = array<i64: 1, 128>}, {pipeline_mode = #tpu.pipeline_mode<synchronous>, transform_indices = @transform_7, window_bounds = array<i64: 128, 128>}, {pipeline_mode = #tpu.pipeline_mode<synchronous>, transform_indices = @transform_8, window_bounds = array<i64: 128, 2>}, {pipeline_mode = #tpu.pipeline_mode<synchronous>, transform_indices = @transform_9, window_bounds = array<i64: 1, 1>}, {transform_indices = @transform_10, window_bounds = array<i64: 1000, 16>}, {transform_indices = @transform_11, window_bounds = array<i64: 1000, 8>}]} {
    %get3A = arith.constant 0 : index
    %get3A_0 = arith.constant 0 : index
    %get3A_1 = arith.constant 0 : index
    %get3A_2 = vector.load %arg1[%get3A, %get3A_0, %get3A_1] : memref<2x1000x144xf32, #tpu.memory_space<vmem>>, vector<2x1000x144xf32>
    %slice3A = vector.extract_strided_slice %get3A_2 {offsets = [0, 0, 0], sizes = [1, 1000, 144], strides = [1, 1, 1]} : vector<2x1000x144xf32> to vector<1x1000x144xf32>
    %squeeze3A = vector.shape_cast %slice3A : vector<1x1000x144xf32> to vector<1000x144xf32>
    %slice3A_3 = vector.extract_strided_slice %get3A_2 {offsets = [1, 0, 0], sizes = [1, 1000, 144], strides = [1, 1, 1]} : vector<2x1000x144xf32> to vector<1x1000x144xf32>
    %squeeze3A_4 = vector.shape_cast %slice3A_3 : vector<1x1000x144xf32> to vector<1000x144xf32>
    %add3A = arith.addf %squeeze3A, %squeeze3A_4 : vector<1000x144xf32>
    %slice3A_5 = vector.extract_strided_slice %add3A {offsets = [0, 128], sizes = [1000, 1], strides = [1, 1]} : vector<1000x144xf32> to vector<1000x1xf32>
    %max3A = arith.constant 1.000000e+00 : f32
    %max3A_6 = vector.broadcast %max3A : f32 to vector<1000x1xf32>
    %max3A_7 = arith.maximumf %slice3A_5, %max3A_6 : vector<1000x1xf32>
    %slice3A_8 = vector.extract_strided_slice %add3A {offsets = [0, 0], sizes = [1000, 128], strides = [1, 1]} : vector<1000x144xf32> to vector<1000x128xf32>
    %div3A = vector.broadcast %max3A_7 : vector<1000x1xf32> to vector<1000x128xf32>
    %div3A_9 = arith.divf %slice3A_8, %div3A : vector<1000x128xf32>
    %get3A_10 = arith.constant 0 : index
    %get3A_11 = arith.constant 0 : index
    %get3A_12 = vector.load %arg2[%get3A_10, %get3A_11] : memref<1000x144xf32, #tpu.memory_space<vmem>>, vector<1000x128xf32>
    %get3A_13 = arith.constant 0 : index
    %get3A_14 = arith.constant 0 : index
    %get3A_15 = vector.load %arg3[%get3A_13, %get3A_14] : memref<128x128xf32, #tpu.memory_space<vmem>>, vector<128x128xf32>
    %dot_general3A = arith.constant dense<0.000000e+00> : vector<1000x128xf32>
    %dot_general3A_16 = tpu.matmul %div3A_9, %get3A_15, %dot_general3A {dimension_numbers = #tpu.dot_dimension_numbers<[1], [1], [0], [0], [0, 0, 1, 0], [], []>, precision = #tpu.contract_precision<fp32>, transpose_lhs_hint = false} : vector<1000x128xf32>, vector<128x128xf32>, vector<1000x128xf32> -> vector<1000x128xf32>
    %get3A_17 = arith.constant 0 : index
    %get3A_18 = arith.constant 0 : index
    %get3A_19 = vector.load %arg4[%get3A_17, %get3A_18] : memref<1x128xf32, #tpu.memory_space<vmem>>, vector<1x128xf32>
    %add3A_20 = vector.broadcast %get3A_19 : vector<1x128xf32> to vector<1000x128xf32>
    %add3A_21 = arith.addf %dot_general3A_16, %add3A_20 : vector<1000x128xf32>
    %get3A_22 = arith.constant 0 : index
    %get3A_23 = arith.constant 0 : index
    %get3A_24 = vector.load %arg5[%get3A_22, %get3A_23] : memref<128x128xf32, #tpu.memory_space<vmem>>, vector<128x128xf32>
    %dot_general3A_25 = arith.constant dense<0.000000e+00> : vector<1000x128xf32>
    %dot_general3A_26 = tpu.matmul %get3A_12, %get3A_24, %dot_general3A_25 {dimension_numbers = #tpu.dot_dimension_numbers<[1], [1], [0], [0], [0, 0, 1, 0], [], []>, precision = #tpu.contract_precision<fp32>, transpose_lhs_hint = false} : vector<1000x128xf32>, vector<128x128xf32>, vector<1000x128xf32> -> vector<1000x128xf32>
    %add3A_27 = arith.addf %add3A_21, %dot_general3A_26 : vector<1000x128xf32>
    %max3A_28 = arith.constant 0.000000e+00 : f32
    %max3A_29 = vector.broadcast %max3A_28 : f32 to vector<1000x128xf32>
    %max3A_30 = arith.maximumf %add3A_27, %max3A_29 : vector<1000x128xf32>
    %get3A_31 = arith.constant 0 : index
    %get3A_32 = arith.constant 0 : index
    %get3A_33 = vector.load %arg9[%get3A_31, %get3A_32] : memref<128x2xf32, #tpu.memory_space<vmem>>, vector<128x2xf32>
    %get3A_34 = arith.constant 0 : index
    %get3A_35 = arith.constant 0 : index
    %get3A_36 = vector.load %arg6[%get3A_34, %get3A_35] : memref<128x128xf32, #tpu.memory_space<vmem>>, vector<128x128xf32>
    %dot_general3A_37 = arith.constant dense<0.000000e+00> : vector<128x2xf32>
    %dot_general3A_38 = tpu.matmul %get3A_36, %get3A_33, %dot_general3A_37 {dimension_numbers = #tpu.dot_dimension_numbers<[0], [0], [1], [1], [0, 1, 1, 1], [], []>, precision = #tpu.contract_precision<fp32>, transpose_lhs_hint = false} : vector<128x128xf32>, vector<128x2xf32>, vector<128x2xf32> -> vector<128x2xf32>
    %get3A_39 = arith.constant 0 : index
    %get3A_40 = arith.constant 0 : index
    %get3A_41 = vector.load %arg8[%get3A_39, %get3A_40] : memref<128x128xf32, #tpu.memory_space<vmem>>, vector<128x128xf32>
    %dot_general3A_42 = arith.constant dense<0.000000e+00> : vector<128x2xf32>
    %dot_general3A_43 = tpu.matmul %get3A_41, %get3A_33, %dot_general3A_42 {dimension_numbers = #tpu.dot_dimension_numbers<[0], [0], [1], [1], [0, 1, 1, 1], [], []>, precision = #tpu.contract_precision<fp32>, transpose_lhs_hint = false} : vector<128x128xf32>, vector<128x2xf32>, vector<128x2xf32> -> vector<128x2xf32>
    %get3A_44 = arith.constant 0 : index
    %get3A_45 = arith.constant 0 : index
    %get3A_46 = vector.load %arg7[%get3A_44, %get3A_45] : memref<1x128xf32, #tpu.memory_space<vmem>>, vector<1x128xf32>
    %dot_general3A_47 = arith.constant dense<0.000000e+00> : vector<1x2xf32>
    %dot_general3A_48 = tpu.matmul %get3A_46, %get3A_33, %dot_general3A_47 {dimension_numbers = #tpu.dot_dimension_numbers<[1], [0], [0], [1], [0, 0, 1, 1], [], []>, precision = #tpu.contract_precision<fp32>, transpose_lhs_hint = false} : vector<1x128xf32>, vector<128x2xf32>, vector<1x2xf32> -> vector<1x2xf32>
    %dot_general3A_49 = arith.constant dense<0.000000e+00> : vector<1000x2xf32>
    %dot_general3A_50 = tpu.matmul %max3A_30, %dot_general3A_38, %dot_general3A_49 {dimension_numbers = #tpu.dot_dimension_numbers<[1], [0], [0], [1], [0, 0, 1, 1], [], []>, precision = #tpu.contract_precision<fp32>, transpose_lhs_hint = false} : vector<1000x128xf32>, vector<128x2xf32>, vector<1000x2xf32> -> vector<1000x2xf32>
    %dot_general3A_51 = arith.constant dense<0.000000e+00> : vector<1000x2xf32>
    %dot_general3A_52 = tpu.matmul %max3A_30, %dot_general3A_43, %dot_general3A_51 {dimension_numbers = #tpu.dot_dimension_numbers<[1], [0], [0], [1], [0, 0, 1, 1], [], []>, precision = #tpu.contract_precision<fp32>, transpose_lhs_hint = false} : vector<1000x128xf32>, vector<128x2xf32>, vector<1000x2xf32> -> vector<1000x2xf32>
    %add3A_53 = vector.broadcast %dot_general3A_48 : vector<1x2xf32> to vector<1000x2xf32>
    %add3A_54 = arith.addf %dot_general3A_52, %add3A_53 : vector<1000x2xf32>
    %broadcast_in_dim3A = arith.constant 0.000000e+00 : f32
    %broadcast_in_dim3A_55 = vector.broadcast %broadcast_in_dim3A : f32 to vector<1000x14xf32>
    %concatenate3A = tpu.concatenate %dot_general3A_50, %broadcast_in_dim3A_55 in 1 : vector<1000x2xf32>, vector<1000x14xf32> -> vector<1000x16xf32>
    %swap3A = arith.constant 0 : index
    %swap3A_56 = arith.constant 0 : index
    %swap3A_57 = vector.load %arg11[%swap3A, %swap3A_56] : memref<1000x16xf32, #tpu.memory_space<vmem>>, vector<1000x16xf32>
    tpu.vector_store %arg11[%swap3A, %swap3A_56], %concatenate3A {strides = array<i32>} : memref<1000x16xf32, #tpu.memory_space<vmem>>, vector<1000x16xf32>,
    %slice3A_58 = vector.extract_strided_slice %add3A_54 {offsets = [0, 0], sizes = [1000, 1], strides = [1, 1]} : vector<1000x2xf32> to vector<1000x1xf32>
    %get3A_59 = arith.constant 0 : index
    %get3A_60 = arith.constant 0 : index
    %get3A_61 = vector.load %arg10[%get3A_59, %get3A_60] : memref<1x1xf32, #tpu.memory_space<vmem>>, vector<1x1xf32>
    %get3A_62 = vector.extract %get3A_61[0, 0] : f32 from vector<1x1xf32>
    %add3A_63 = vector.broadcast %get3A_62 : f32 to vector<1000x1xf32>
    %add3A_64 = arith.addf %slice3A_58, %add3A_63 : vector<1000x1xf32>
    %slice3A_65 = vector.extract_strided_slice %add3A_54 {offsets = [0, 1], sizes = [1000, 1], strides = [1, 1]} : vector<1000x2xf32> to vector<1000x1xf32>
    %broadcast_in_dim3A_66 = arith.constant 0.000000e+00 : f32
    %broadcast_in_dim3A_67 = vector.broadcast %broadcast_in_dim3A_66 : f32 to vector<1000x5xf32>
    %concatenate3A_68 = tpu.concatenate %add3A_64, %slice3A_65, %max3A_7, %broadcast_in_dim3A_67 in 1 : vector<1000x1xf32>, vector<1000x1xf32>, vector<1000x1xf32>, vector<1000x5xf32> -> vector<1000x8xf32>
    %swap3A_69 = arith.constant 0 : index
    %swap3A_70 = arith.constant 0 : index
    %swap3A_71 = vector.load %arg12[%swap3A_69, %swap3A_70] : memref<1000x8xf32, #tpu.memory_space<vmem>>, vector<1000x8xf32>
    tpu.vector_store %arg12[%swap3A_69, %swap3A_70], %concatenate3A_68 {strides = array<i32>} : memref<1000x8xf32, #tpu.memory_space<vmem>>, vector<1000x8xf32>,
    return
  }
  func.func @transform_0(%arg0: i32) -> (i32, i32, i32) {
    %c0_i32 = arith.constant 0 : i32
    %c0_i32_0 = arith.constant 0 : i32
    %c0_i32_1 = arith.constant 0 : i32
    return %c0_i32, %arg0, %c0_i32_0 : i32, i32, i32
  }
  func.func @transform_1(%arg0: i32) -> (i32, i32) {
    %c0_i32 = arith.constant 0 : i32
    %c0_i32_0 = arith.constant 0 : i32
    return %arg0, %c0_i32 : i32, i32
  }
  func.func @transform_2(%arg0: i32) -> (i32, i32) {
    %c0_i32 = arith.constant 0 : i32
    %c0_i32_0 = arith.constant 0 : i32
    %c0_i32_1 = arith.constant 0 : i32
    return %c0_i32, %c0_i32_0 : i32, i32
  }
  func.func @transform_3(%arg0: i32) -> (i32, i32) {
    %c0_i32 = arith.constant 0 : i32
    %c0_i32_0 = arith.constant 0 : i32
    %c0_i32_1 = arith.constant 0 : i32
    return %c0_i32, %c0_i32_0 : i32, i32
  }
  func.func @transform_4(%arg0: i32) -> (i32, i32) {
    %c0_i32 = arith.constant 0 : i32
    %c0_i32_0 = arith.constant 0 : i32
    %c0_i32_1 = arith.constant 0 : i32
    return %c0_i32, %c0_i32_0 : i32, i32
  }
  func.func @transform_5(%arg0: i32) -> (i32, i32) {
    %c0_i32 = arith.constant 0 : i32
    %c0_i32_0 = arith.constant 0 : i32
    %c0_i32_1 = arith.constant 0 : i32
    return %c0_i32, %c0_i32_0 : i32, i32
  }
  func.func @transform_6(%arg0: i32) -> (i32, i32) {
    %c0_i32 = arith.constant 0 : i32
    %c0_i32_0 = arith.constant 0 : i32
    %c0_i32_1 = arith.constant 0 : i32
    return %c0_i32, %c0_i32_0 : i32, i32
  }
  func.func @transform_7(%arg0: i32) -> (i32, i32) {
    %c0_i32 = arith.constant 0 : i32
    %c0_i32_0 = arith.constant 0 : i32
    %c0_i32_1 = arith.constant 0 : i32
    return %c0_i32, %c0_i32_0 : i32, i32
  }
  func.func @transform_8(%arg0: i32) -> (i32, i32) {
    %c0_i32 = arith.constant 0 : i32
    %c0_i32_0 = arith.constant 0 : i32
    %c0_i32_1 = arith.constant 0 : i32
    return %c0_i32, %c0_i32_0 : i32, i32
  }
  func.func @transform_9(%arg0: i32) -> (i32, i32) {
    %c0_i32 = arith.constant 0 : i32
    %c0_i32_0 = arith.constant 0 : i32
    %c0_i32_1 = arith.constant 0 : i32
    return %c0_i32, %c0_i32_0 : i32, i32
  }
  func.func @transform_10(%arg0: i32) -> (i32, i32) {
    %c0_i32 = arith.constant 0 : i32
    %c0_i32_0 = arith.constant 0 : i32
    return %arg0, %c0_i32 : i32, i32
  }
  func.func @transform_11(%arg0: i32) -> (i32, i32) {
    %c0_i32 = arith.constant 0 : i32
    %c0_i32_0 = arith.constant 0 : i32
    return %arg0, %c0_i32 : i32, i32
  }
}

</mosaic_0001>

<sc_bundles>
// kernel: kernel.10.cloned.1.call-start
scs
__scs_entry_jumppad:
0x0: {  	(pc) =	sbr.rel $0x88, $3  }
0x1: {  	(tag) =	ssettag $0x0;
	lr =	simm.s32 $0x1  }
0x2: {  	[smem:$0x3F97] =	sst lr;
	_ =	strace $0xD0000000  }
0x3: {  	_ = 	snop  }
0x4: {  	_ = 	snop  }
0x5: {  	_ = 	snop  }
0x6: {  	_ = 	snop  }
0x7: {  	_ = 	snop  }
__scs_overlays_trampoline_lowered:
0x8: {  	[smem:$0x3FA6] =	sst s0  }
0x9: {  	[smem:$0x3FA7] =	sst s1  }
0xa: {  	[smem:$0x3FA8] =	sst s2  }
0xb: {  	[smem:$0x3FA9] =	sst s3  }
0xc: {  	[smem:$0x3FAA] =	sst s4  }
0xd: {  	[smem:$0x3FAB] =	sst s5  }
0xe: {  	[smem:$0x3FAC] =	sst s6  }
0xf: {  	[smem:$0x3FAD] =	sst s7  }
0x10: {  	[smem:$0x3FAE] =	sst s8  }
0x11: {  	[smem:$0x3FAF] =	sst s9;
	s0 =	simm.s32 @!p0 $0x0  }
0x12: {  	s1 =	sld [smem:$0x3F95];
	s0 =	simm.s32 @p0 $0x1  }
0x13: {  	[smem:$0x3FB0] =	sst s0;
	s0 =	simm.s32 @!p1 $0x0  }
0x14: {  	s2 =	sld [smem:$0x3F94];
	s0 =	simm.s32 @p1 $0x1  }
0x15: {  	[smem:$0x3FB1] =	sst s0;
	s0 =	simm.s32 @!p2 $0x0  }
0x16: {  	s3 =	sld [smem:$0x3FDB];
	s0 =	simm.s32 @p2 $0x1  }
0x17: {  	s4 =	simm.s32 $0x1BF5;
	[smem:$0x3FB3] =	sst s0  }
0x18: {  	s0 =	sld [smem:$0x3F96];
	_ =	swait.ge [sflag:s4], $0x0  }
0x19: {  	s7 =	sld [smem:$0x3F97]  }
0x1a: {  	s8 =	sadd.s32 $0xFFFFE003, lr  }
0x1b: {  	s9 =	sadd.s32 $0xFFFFFEF7, lr;
	s5 =	simm.s32 $0xFFFFFFFF;
	p2 =	slt.u32 s8, $0xFFFFF086  }
0x1c: {  	p1 =	slt.u32 s9, $0xF7A;
	s5 =	simm.s32 @!p2 $0x0  }
0x1d: {  	s5 =	simm.s32 @p1 $0x1;
	p0 =	seq.s32 s7, s2  }
0x1e: {  	s7 =	smul.u32 @!p0 $0xF7A, s2;
	p2 =	seq.s32 @!p0 s5, $0x0  }
0x1f: {  	s9 =	smul.u32 $0xF7A, s1;
	s8 =	simm.s32 @!p0 $0x1BF5;
	p2 =	por !p2, p0  }
0x20: {  	[sflag:s8] =	ssyncset.s32 @!p0 $0xFFFFF086;
	s6 =	sadd.s32 @!p0 s3, s7;
	s7 =	simm.s32 @!p0 $0x108  }
0x21: {  	s3 =	sadd.s32 s3, s9;
	s6 =	sadd.s32 @!p0 $0x88, s6;
	s7 =	simm.s32 @p2 $0x1082  }
0x22: {  	[simem:s7], [sflag:s8] =	dma.local @!p0 [hbm:s6], $0xF7A  }
0x23: {  	s9 =	sor.u32 $0xD0000000, s2;
	s6 =	simm.s32 $0x108;
	_ =	swait.ge @!p0 [sflag:s8], $0x0  }
0x24: {  	s3 =	sadd.s32 $0x88, s3;
	s6 =	simm.s32 @!p1 $0x1082;
	[sflag:s4] =	ssyncset.s32 $0xFFFFF086  }
0x25: {  	[simem:s6], [sflag:s4] =	dma.local [hbm:s3], $0xF7A  }
0x26: {  	[smem:$0x3F97] =	sst s1;
	(tag) =	ssettag s2;
	_ =	strace s9  }
0x27: {  	s1 =	sld [smem:$0x3FA7]  }
0x28: {  	s2 =	sld [smem:$0x3FA8]  }
0x29: {  	s4 =	sld [smem:$0x3FAA]  }
0x2a: {  	p0 =	seq.s32 s5, $0x0;
	s5 =	sld [smem:$0x3FAB]  }
0x2b: {  	s6 =	sld [smem:$0x3FAC]  }
0x2c: {  	s7 =	sld [smem:$0x3FAD]  }
0x2d: {  	s3 =	simm.s32 $0x108;
	s8 =	sld [smem:$0x3FAE]  }
0x2e: {  	s3 =	simm.s32 @!p0 $0x1082;
	s9 =	sld [smem:$0x3FAF]  }
0x2f: {  	lr =	sadd.s32 s0, s3;
	s0 =	sld [smem:$0x3FA6]  }
0x30: {  	s3 =	sld [smem:$0x3FA9]  }
0x31: {  	[smem:$0x3FB2] =	sst s10  }
0x32: {  	s10 =	sld [smem:$0x3FB0];
	_ =	sdelay $0x3  }
0x33: {  	p0 =	seq.s32 s10, $0x1;
	s10 =	sld [smem:$0x3FB2];
	_ =	sdelay $0x3  }
0x34: {  	[smem:$0x3FB2] =	sst s10  }
0x35: {  	s10 =	sld [smem:$0x3FB1];
	_ =	sdelay $0x3  }
0x36: {  	p1 =	seq.s32 s10, $0x1;
	s10 =	sld [smem:$0x3FB2];
	_ =	sdelay $0x3  }
0x37: {  	[smem:$0x3FB2] =	sst s10  }
0x38: {  	s10 =	sld [smem:$0x3FB3]  }
0x39: {  	_ = 	snop;
	(pc) =	sbr.ind lr, $3  }
0x3a: {  	_ = 	snop  }
0x3b: {  	_ = 	snop  }
0x3c: {  	p2 =	seq.s32 s10, $0x1;
	s10 =	sld [smem:$0x3FB2]  }
0x3d: {  	_ =	shalt  }
0x3e: {  	_ =	shalt  }
0x3f: {  	_ =	shalt  }
0x40: {  	_ =	shalt  }
0x41: {  	_ =	shalt  }
0x42: {  	_ =	shalt  }
0x43: {  	_ =	shalt  }
0x44: {  	_ =	shalt  }
0x45: {  	_ =	shalt  }
0x46: {  	_ =	shalt  }
0x47: {  	_ =	shalt  }
0x48: {  	_ =	shalt  }
0x49: {  	_ =	shalt  }
0x4a: {  	_ =	shalt  }
0x4b: {  	_ =	shalt  }
0x4c: {  	_ =	shalt  }
0x4d: {  	_ =	shalt  }
0x4e: {  	_ =	shalt  }
0x4f: {  	_ =	shalt  }
0x50: {  	_ =	shalt  }
0x51: {  	_ =	shalt  }
0x52: {  	_ =	shalt  }
0x53: {  	_ =	shalt  }
0x54: {  	_ =	shalt  }
0x55: {  	_ =	shalt  }
0x56: {  	_ =	shalt  }
0x57: {  	_ =	shalt  }
0x58: {  	_ =	shalt  }
0x59: {  	_ =	shalt  }
0x5a: {  	_ =	shalt  }
0x5b: {  	_ =	shalt  }
0x5c: {  	_ =	shalt  }
0x5d: {  	_ =	shalt  }
0x5e: {  	_ =	shalt  }
0x5f: {  	_ =	shalt  }
0x60: {  	_ =	shalt  }
0x61: {  	_ =	shalt  }
0x62: {  	_ =	shalt  }
0x63: {  	_ =	shalt  }
0x64: {  	_ =	shalt  }
0x65: {  	_ =	shalt  }
0x66: {  	_ =	shalt  }
0x67: {  	_ =	shalt  }
0x68: {  	_ =	shalt  }
0x69: {  	_ =	shalt  }
0x6a: {  	_ =	shalt  }
0x6b: {  	_ =	shalt  }
0x6c: {  	_ =	shalt  }
0x6d: {  	_ =	shalt  }
0x6e: {  	_ =	shalt  }
0x6f: {  	_ =	shalt  }
0x70: {  	_ =	shalt  }
0x71: {  	_ =	shalt  }
0x72: {  	_ =	shalt  }
0x73: {  	_ =	shalt  }
0x74: {  	_ =	shalt  }
0x75: {  	_ =	shalt  }
0x76: {  	_ =	shalt  }
0x77: {  	_ =	shalt  }
0x78: {  	_ =	shalt  }
0x79: {  	_ =	shalt  }
0x7a: {  	_ =	shalt  }
0x7b: {  	_ =	shalt  }
0x7c: {  	_ =	shalt  }
0x7d: {  	_ =	shalt  }
0x7e: {  	_ =	shalt  }
0x7f: {  	_ =	shalt  }
0x80: {  	_ =	shalt  }
0x81: {  	_ =	shalt  }
0x82: {  	_ =	shalt  }
0x83: {  	_ =	shalt  }
0x84: {  	_ =	shalt  }
0x85: {  	_ =	shalt  }
0x86: {  	_ =	shalt  }
0x87: {  	_ =	shalt  }
.Lfunc_end0:
.L_simem_size_0:
called_computation.1_lowered:
.L_overlay_start_0:
0x88: {  	s2 =	sld [smem:$0x3FD9]  }
0x89: {  	s3 =	sld [smem:$0x3FFE];
	_ =	sdelay $0x1  }
0x8a: {  	s1 =	srdreg.scid  }
0x8b: {  	s0 =	sand.u32 $0x1, s1  }
0x8c: {  	s17 =	sshll.u32 s0, $0xA;
	s2 =	sadd.s32 s3, s2  }
0x8d: {  	s2 =	sadd.s32 s2, s17  }
0x8e: {  	[smem:$0x3FBE] =	sst s2  }
0x8f: {  	_ = 	snop  }
0x90: {  	s2 =	sld [smem:$0x3FD0];
	(tm) =	ssettm $0x1  }
0x91: {  	s18 =	sld [smem:$0x3FFB];
	_ =	sdelay $0x3  }
0x92: {  	_ =	strace s18  }
0x93: {  	s3 =	sld [smem:$0x3FFC];
	_ =	sdelay $0x3  }
0x94: {  	_ =	strace s3  }
0x95: {  	s3 =	sld [smem:$0x3FFD];
	_ =	sdelay $0x3  }
0x96: {  	_ =	strace s3  }
0x97: {  	_ =	strace $0x8FFFFFFF  }
0x98: {  	s19 =	sld [smem:$0x3FDB];
	_ =	sdelay $0x1  }
0x99: {  	s4 =	simm.s32 $_scs_section_size  }
0x9a: {  	s5 =	simm.s32 $_size__tile_overlayer_lowered;
	s6 =	simm.s32 $_tile_overlayer_lowered  }
0x9b: {  	s22 =	simm.s32 $0x1BFF;
	s21 =	sshll.u32 s6, $0x1;
	s3 =	sadd.s32 s4, s19  }
0x9c: {  	s7 =	simm.s32 $0x0;
	s20 =	sshll.u32 s5, $0x1;
	s5 =	sadd.s32 s21, s3  }
0x9d: {  	[timem:s7], [sflag:s22] =	dma.local [hbm:s5], s20  }
0x9e: {  	_ =	swait.ge [sflag:s22], s20  }
0x9f: {  	s4 =	ssub.s32 $0x0, s20;
	[sflag:s22] =	ssyncset.done $0x0  }
0xa0: {  	[sflag:s22] =	ssyncadd.s32 s4;
	_ =	sdelay $0x1  }
0xa1: {  	s23 =	simm.s32 $0x1B8B  }
0xa2: {  	_ =	swait.ge [sflag:s23], $0x1  }
0xa3: {  	[sflag:s23] =	ssyncset.done $0x0  }
0xa4: {  	s25 =	simm.s32 $0x1B8E;
	s24 =	sld [smem:$0x3FFE];
	[sflag:s23] =	ssyncadd.s32 $0xFFFFFFFF  }
0xa5: {  	s26 =	simm.s32 $execute0_lowered;
	[smem:$0x3FD2] =	sst s25  }
0xa6: {  	s5 =	sshll.u32 s26, $0x1;
	_ =	strace $0x80000049;
	[dreg:$0x1] =	wrdreg $0xFFFFFFFF  }
0xa7: {  	s28 =	simm.s32 $_size_execute0_lowered;
	s3 =	sadd.s32 s3, s5;
	[dreg:$0x0] =	wrdreg $0x0  }
0xa8: {  	s5 =	sshll.u32 s28, $0x1;
	[dreg:$0x2] =	wrdreg s3  }
0xa9: {  	[dreg:$0x3] =	wrdreg s5  }
0xaa: {  	[dreg:$0x4] =	wrdreg $0xC0  }
0xab: {  	_ =	task [dreg:s7], $0x5FFFF  }
0xac: {  	[dreg:$0x1] =	wrdreg $0xFFFFFFFF  }
0xad: {  	[dreg:$0x0] =	wrdreg $0x60  }
0xae: {  	[dreg:$0x2] =	wrdreg s2  }
0xaf: {  	[dreg:$0x3] =	wrdreg s24  }
0xb0: {  	[dreg:$0x4] =	wrdreg $0x53200  }
0xb1: {  	[dreg:$0x5] =	wrdreg $0x9  }
0xb2: {  	_ =	task.clear_ibuf [dreg:s7], $0x6FFFF;
	_ =	strace $0x90000049  }
0xb3: {  	s29 =	simm.s32 $0x9;
	_ =	strace $0x8000004B  }
0xb4: {  	_ =	swait.ge [sflag:s29], $0x1  }
0xb5: {  	[sflag:s29] =	ssyncadd.s32 $0xFFFFFFFF  }
0xb6: {  	_ =	strace $0x9000004B  }
0xb7: {  	_ =	sfence  }
0xb8: {  	s30 =	sld [smem:$0x0];
	_ =	sdelay $0x2  }
0xb9: {  	s31 =	sshll.u32 s1, $0xD;
	s1 =	sshrl.u32 s1, $0x2  }
0xba: {  	s3 =	sand.u32 $0x4000, s31;
	s1 =	sadd.s32 s1, s30  }
0xbb: {  	s0 =	sor.u32 s3, s0;
	s1 =	sshll.u32 s1, $0x11  }
0xbc: {  	s0 =	sor.u32 s1, s0  }
0xbd: {  	s0 =	sadd.s32 $0x8F2B, s0  }
0xbe: {  	[sflag:s0] =	ssyncadd.remote.s32 $0x1  }
0xbf: {  	_ =	sfence.sel $0xFFFF  }
0xc0: {  	[dreg:$0x0] =	wrdreg $0xFFFFFFFF;
	(pc) =	sbr.abs _section_cstart, $3  }
0xc1: {  	[dreg:$0x1] =	wrdreg $0xFFFFFFFF  }
0xc2: {  	_ =	task.clear_ibuf [dreg:s7], $0x2FFFF;
	_ =	strace $0x9FFFFFFF  }
0xc3: {  	(tm) =	ssettm $0x7FFFFFFF  }
tec
execute0_lowered:
.L_overlay_start_1:
0x0: {  	(tag) =	ssettag $0x1  }
0x1: {  	s1 =	rddreg [dreg:$0x0]  }
0x2: {  	s2 =	srdreg.scid;
	s6 =	rddreg [dreg:$0x1]  }
0x3: {  	s0 =	stileid.u32;
	s3 =	rddreg [dreg:$0x2];
	s4 =	simm.s32 $0x0  }
0x4: {  	s14 =	simm.s32 $0x28;
	s15 =	simm.s32 $0x4E20;
	s16 =	simm.s32 $0x50A0  }
0x5: {  	s17 =	simm.s32 $0x1;
	s18 =	simm.s32 $0x2;
	s19 =	simm.s32 $0x26C0  }
0x6: {  	s20 =	simm.s32 $0x26E8;
	s21 =	simm.s32 $0x4DD0;
	s22 =	simm.s32 $0x4DF8  }
0x7: {  	s23 =	simm.s32 $0x0;
	s5 =	sand.u32 $0x1, s2;
	s28 =	sshll.u32 s0, $0x1  }
0x8: {  	s8 =	smul.u32 $0x2710, s0;
	[smem:$0x7FF] =	sst s4;
	s31 =	sshll.u32 s0, $0x6  }
0x9: {  	s2 =	sor.u32 s5, s28;
	s9 =	smul.u32 $0x27100, s5;
	s5 =	ssub.s32 $0x2, s5  }
0xa: {  	s7 =	smul.u32 $0x4E2, s2;
	s2 =	rddreg [dreg:$0x3];
	_ =	strace $0x8000004A  }
0xb: {  	s30 =	sshrl.u32 s8, $0x3;
	s11 =	sshrl.u32 s5, $0x1;
	s13 =	sadd.s32 s8, s3  }
0xc: {  	s29 =	sadd.s32 s8, s9;
	s9 =	sadd.s32 s30, s6;
	s11 =	ssub.s32 s5, s11  }
0xd: {  	s10 =	sadd.s32 s7, s6;
	s7 =	sshrl.u32 s29, $0x3;
	s5 =	sadd.s32 $0x15200, s9  }
0xe: {  	s12 =	sadd.s32 s7, s6;
	s6 =	sor.u32 $0x1C03, s31;
	s7 =	sadd.s32 $0xB400, s10  }
0xf: {  	s8 =	sadd.s32 $0x1600, s10;
	s10 =	smax.u32 s11, $0x1;
	s11 =	sshrl.u32 s13, $0x3  }
0x10: {  	s13 =	simm.s32 $0x2710;
	s9 =	sadd.s32 $0x1A200, s12;
	s12 =	simm.s32 $0x3  }
.LBB2_1:
0x11: {  	[spmem:s11], [sflag:s6] =	dma.local [hbm:s5], $0x4E2  }
0x12: {  	_ =	swait.ge [sflag:s12], $0x4E2  }
0x13: {  	[sflag:s12] =	ssyncset.done $0x0  }
0x14: {  	[sflag:s12] =	ssyncadd.s32 $0xFFFFFB1E  }
0x15: {  	[tilespmem:s4], [sflag:$0x3] =	stream.linear.gather [hbm4b:s7+s4], $0x2710, $0x38;
	[tilespmem:$0x7A30] =	vst v63  }
0x16: {  	_ =	swait.ge [sflag:s12], $0x2710  }
0x17: {  	[sflag:s12] =	ssyncset.done $0x0  }
0x18: {  	[sflag:s12] =	ssyncadd.s32 $0xFFFFD8F0  }
0x19: {  	[tilespmem:s13], [sflag:$0x3] =	stream.linear.gather [hbm4b:s8+s4], $0x2710, $0x38;
	[tilespmem:$0x7A30] =	vst v63  }
0x1a: {  	_ =	swait.ge [sflag:s12], $0x2710  }
0x1b: {  	[sflag:s12] =	ssyncset.done $0x0  }
0x1c: {  	[sflag:s12] =	ssyncadd.s32 $0xFFFFD8F0  }
0x1d: {  	[bflag:$0x0] =	sbarrier.arrive $0xFFFF  }
0x1e: {  	[tilespmem:s15], [sflag:$0x1] =	stream.indirect.gather [hbm4b:s1+s14], $0x10, s4, s14, $0xb8;
	[tilespmem:$0x7A30] =	vst v63  }
0x1f: {  	_ = 	snop  }
0x20: {  	[tilespmem:s16], [sflag:$0x2] =	stream.indirect.gather [hbm4b:s1+s14], $0x10, s14, s14, $0xb8;
	[tilespmem:$0x7A30] =	vst v63  }
0x21: {  	_ =	swait.ge [sflag:s17], $0x280  }
0x22: {  	[sflag:s17] =	ssyncset.done $0x0  }
0x23: {  	s24 =	simm.s32 $0x2710;
	[sflag:s17] =	ssyncadd.s32 $0xFFFFFD80  }
0x24: {  	[spmem:s3] =	stream.indirect.scatter.add.f32 [tilespmem:s15], [sflag:$0x3], $0x10, s24, s14, $0xb8;
	[tilespmem:$0x7A30] =	vst v63  }
0x25: {  	_ =	swait.ge [sflag:s12], $0x280  }
0x26: {  	[sflag:s12] =	ssyncset.done $0x0  }
0x27: {  	s30 =	simm.s32 $0x50;
	[sflag:s12] =	ssyncadd.s32 $0xFFFFFD80  }
0x28: {  	[tilespmem:s15], [sflag:$0x1] =	stream.indirect.gather [hbm4b:s1+s14], $0x10, s30, s14, $0xb8;
	[tilespmem:$0x7A30] =	vst v63  }
0x29: {  	_ =	swait.ge [sflag:s18], $0x280  }
0x2a: {  	[sflag:s18] =	ssyncset.done $0x0  }
0x2b: {  	s31 =	simm.s32 $0x2738;
	[sflag:s18] =	ssyncadd.s32 $0xFFFFFD80  }
0x2c: {  	[spmem:s3] =	stream.indirect.scatter.add.f32 [tilespmem:s16], [sflag:$0x3], $0x10, s31, s14, $0xb8;
	[tilespmem:$0x7A30] =	vst v63  }
0x2d: {  	_ =	swait.ge [sflag:s12], $0x280  }
0x2e: {  	[sflag:s12] =	ssyncset.done $0x0  }
0x2f: {  	s25 =	simm.s32 $0x78;
	s24 =	simm.s32 $0x140;
	[sflag:s12] =	ssyncadd.s32 $0xFFFFFD80  }
.LBB2_2:
0x30: {  	[tilespmem:s16], [sflag:$0x2] =	stream.indirect.gather [hbm4b:s1+s14], $0x10, s25, s14, $0xb8;
	[tilespmem:$0x7A30] =	vst v63  }
0x31: {  	s25 =	smov.u32 s24;
	s24 =	sadd.s32 $0x140, s24;
	_ =	swait.ge [sflag:s17], $0x280  }
0x32: {  	s25 =	sshra.s32 s25, $0x2;
	p0 =	sne.s32 s24, $0x99C0;
	[sflag:s17] =	ssyncset.done $0x0  }
0x33: {  	s26 =	sadd.s32 $0x2710, s25;
	[sflag:s17] =	ssyncadd.s32 $0xFFFFFD80  }
0x34: {  	[spmem:s3] =	stream.indirect.scatter.add.f32 [tilespmem:s15], [sflag:$0x3], $0x10, s26, s14, $0xb8;
	[tilespmem:$0x7A30] =	vst v63  }
0x35: {  	_ =	swait.ge [sflag:s12], $0x280  }
0x36: {  	[sflag:s12] =	ssyncset.done $0x0  }
0x37: {  	s26 =	sadd.s32 $0x50, s25;
	[sflag:s12] =	ssyncadd.s32 $0xFFFFFD80  }
0x38: {  	[tilespmem:s15], [sflag:$0x1] =	stream.indirect.gather [hbm4b:s1+s14], $0x10, s26, s14, $0xb8;
	[tilespmem:$0x7A30] =	vst v63  }
0x39: {  	_ =	swait.ge [sflag:s18], $0x280  }
0x3a: {  	[sflag:s18] =	ssyncset.done $0x0  }
.Ltmp0:
0x3b: {  	s26 =	sadd.s32 $0x2738, s25;
	[sflag:s18] =	ssyncadd.s32 $0xFFFFFD80;
	(pc) =	sbr.rel @p0 .LBB2_2-.Ltmp0, $4  }
0x3c: {  	[spmem:s3] =	stream.indirect.scatter.add.f32 [tilespmem:s16], [sflag:$0x3], $0x10, s26, s14, $0xb8;
	[tilespmem:$0x7A30] =	vst v63  }
0x3d: {  	_ =	swait.ge [sflag:s12], $0x280  }
0x3e: {  	[sflag:s12] =	ssyncset.done $0x0  }
0x3f: {  	s25 =	sadd.s32 $0x78, s25;
	[sflag:s12] =	ssyncadd.s32 $0xFFFFFD80  }
0x40: {  	[tilespmem:s16], [sflag:$0x2] =	stream.indirect.gather [hbm4b:s1+s14], $0x10, s25, s14, $0xb8;
	[tilespmem:$0x7A30] =	vst v63  }
0x41: {  	_ =	swait.ge [sflag:s17], $0x280  }
0x42: {  	s24 =	sshra.s32 s24, $0x2;
	[sflag:s17] =	ssyncset.done $0x0  }
0x43: {  	s31 =	sadd.s32 $0x2710, s24;
	[sflag:s17] =	ssyncadd.s32 $0xFFFFFD80  }
0x44: {  	[spmem:s3] =	stream.indirect.scatter.add.f32 [tilespmem:s15], [sflag:$0x3], $0x10, s31, s14, $0xb8;
	[tilespmem:$0x7A30] =	vst v63  }
0x45: {  	_ =	swait.ge [sflag:s12], $0x280  }
0x46: {  	[sflag:s12] =	ssyncset.done $0x0  }
0x47: {  	[sflag:s12] =	ssyncadd.s32 $0xFFFFFD80  }
0x48: {  	[tilespmem:s15], [sflag:$0x1] =	stream.indirect.gather [hbm4b:s1+s14], $0x10, s19, s14, $0xb8;
	[tilespmem:$0x7A30] =	vst v63  }
0x49: {  	_ =	swait.ge [sflag:s18], $0x280  }
0x4a: {  	[sflag:s18] =	ssyncset.done $0x0  }
0x4b: {  	s24 =	sadd.s32 $0x2738, s24;
	[sflag:s18] =	ssyncadd.s32 $0xFFFFFD80  }
0x4c: {  	[spmem:s3] =	stream.indirect.scatter.add.f32 [tilespmem:s16], [sflag:$0x3], $0x10, s24, s14, $0xb8;
	[tilespmem:$0x7A30] =	vst v63  }
0x4d: {  	_ =	swait.ge [sflag:s12], $0x280  }
0x4e: {  	[sflag:s12] =	ssyncset.done $0x0  }
0x4f: {  	[sflag:s12] =	ssyncadd.s32 $0xFFFFFD80  }
0x50: {  	[tilespmem:s16], [sflag:$0x2] =	stream.indirect.gather [hbm4b:s1+s14], $0x10, s20, s14, $0xb8;
	[tilespmem:$0x7A30] =	vst v63  }
0x51: {  	_ =	swait.ge [sflag:s17], $0x280  }
0x52: {  	[sflag:s17] =	ssyncset.done $0x0  }
0x53: {  	[sflag:s17] =	ssyncadd.s32 $0xFFFFFD80  }
0x54: {  	[spmem:s3] =	stream.indirect.scatter.add.f32 [tilespmem:s15], [sflag:$0x3], $0x10, s21, s14, $0xb8;
	[tilespmem:$0x7A30] =	vst v63  }
0x55: {  	_ =	swait.ge [sflag:s12], $0x280  }
0x56: {  	[sflag:s12] =	ssyncset.done $0x0  }
0x57: {  	[sflag:s12] =	ssyncadd.s32 $0xFFFFFD80  }
0x58: {  	[tilespmem:s15], [sflag:$0x1] =	stream.indirect.gather [hbm4b:s1+s14], $0x10, s20, s14, $0xb8;
	[tilespmem:$0x7A30] =	vst v63  }
0x59: {  	_ =	swait.ge [sflag:s18], $0x280  }
0x5a: {  	[sflag:s18] =	ssyncset.done $0x0  }
0x5b: {  	[sflag:s18] =	ssyncadd.s32 $0xFFFFFD80  }
0x5c: {  	[spmem:s3] =	stream.indirect.scatter.add.f32 [tilespmem:s16], [sflag:$0x3], $0x10, s22, s14, $0xb8;
	[tilespmem:$0x7A30] =	vst v63  }
0x5d: {  	_ =	swait.ge [sflag:s12], $0x280  }
0x5e: {  	[sflag:s12] =	ssyncset.done $0x0  }
0x5f: {  	[sflag:s12] =	ssyncadd.s32 $0xFFFFFD80  }
0x60: {  	[tilespmem:s16], [sflag:$0x2] =	stream.indirect.gather [hbm4b:s1+s14], $0x10, s20, s14, $0xb8;
	[tilespmem:$0x7A30] =	vst v63  }
0x61: {  	_ =	swait.ge [sflag:s18], $0x280  }
0x62: {  	[sflag:s18] =	ssyncset.done $0x0  }
0x63: {  	[sflag:s18] =	ssyncadd.s32 $0xFFFFFD80  }
0x64: {  	_ =	swait.ge [sflag:s17], $0x280  }
0x65: {  	s23 =	sadd.s32 $0x1, s23;
	[sflag:s17] =	ssyncset.done $0x0  }
0x66: {  	p0 =	sne.s32 s23, s10;
	[sflag:s17] =	ssyncadd.s32 $0xFFFFFD80  }
.Ltmp1:
0x67: {  	[bflag:$0x0] =	sbarrier.arrive $0xFFFF;
	(pc) =	sbr.rel @p0 .LBB2_1-.Ltmp1, $4  }
0x68: {  	[hbm:s9], [sflag:s6] =	dma.local [spmem:s11], $0x4E2  }
0x69: {  	_ =	swait.ge [sflag:s12], $0x4E2  }
0x6a: {  	[sflag:s12] =	ssyncset.done $0x0  }
0x6b: {  	[sflag:s12] =	ssyncadd.s32 $0xFFFFFB1E  }
0x6c: {  	_ =	sfence.sel $0x180000  }
0x6d: {  	[bflag:$0x0] =	sbarrier.arrive $0xFFFF  }
0x6e: {  	p0 =	sne.s32 s0, $0x0;
	_ =	strace $0x9000004A  }
0x6f: {  	s0 =	sadd.s32 @!p0 $0x100000, s2;
	[bflag:$0x2] =	sbarrier.arrive $0xFFFF  }
0x70: {  	[sflag:s0] =	ssyncadd.tile.s32 @!p0 $0x1;
	_ =	shalt  }
.Lfunc_end2:
_tile_overlayer_lowered:
.L_overlay_start_2:
0x71: {  	(tag) =	ssettag $0x2  }
0x72: {  	s0 =	rddreg [dreg:$0x0];
	s2 =	stileid.u32  }
0x73: {  	s1 =	rddreg [dreg:$0x1];
	p0 =	sne.s32 s2, $0x0  }
0x74: {  	s3 =	rddreg [dreg:$0x2];
	[bflag:$0x3] =	sbarrier.arrive $0xFFFF;
	s2 =	simm.s32 @!p0 $0x1C03  }
0x75: {  	[timem:s3], [sflag:s2] =	dma.local @!p0 [hbm:s0], s1  }
0x76: {  	s0 =	simm.s32 @!p0 $0x3  }
0x77: {  	_ =	swait.ge @!p0 [sflag:s0], s1  }
0x78: {  	s1 =	ssub.s32 @!p0 $0x0, s1;
	[sflag:s0] =	ssyncset.done @!p0 $0x0  }
0x79: {  	[sflag:s0] =	ssyncadd.s32 @!p0 s1  }
0x7a: {  	[bflag:$0x3] =	sbarrier.arrive $0xFFFF  }
0x7b: {  	_ =	shalt  }

// kernel: kernel.13.cloned.1.call-start
scs
__scs_entry_jumppad:
0x0: {  	(pc) =	sbr.rel $0x88, $3  }
0x1: {  	(tag) =	ssettag $0x0;
	lr =	simm.s32 $0x1  }
0x2: {  	[smem:$0x3F97] =	sst lr;
	_ =	strace $0xD0000000  }
0x3: {  	_ = 	snop  }
0x4: {  	_ = 	snop  }
0x5: {  	_ = 	snop  }
0x6: {  	_ = 	snop  }
0x7: {  	_ = 	snop  }
__scs_overlays_trampoline_lowered:
0x8: {  	[smem:$0x3FA6] =	sst s0  }
0x9: {  	[smem:$0x3FA7] =	sst s1  }
0xa: {  	[smem:$0x3FA8] =	sst s2  }
0xb: {  	[smem:$0x3FA9] =	sst s3  }
0xc: {  	[smem:$0x3FAA] =	sst s4  }
0xd: {  	[smem:$0x3FAB] =	sst s5  }
0xe: {  	[smem:$0x3FAC] =	sst s6  }
0xf: {  	[smem:$0x3FAD] =	sst s7  }
0x10: {  	[smem:$0x3FAE] =	sst s8  }
0x11: {  	[smem:$0x3FAF] =	sst s9;
	s0 =	simm.s32 @!p0 $0x0  }
0x12: {  	s1 =	sld [smem:$0x3F95];
	s0 =	simm.s32 @p0 $0x1  }
0x13: {  	[smem:$0x3FB0] =	sst s0;
	s0 =	simm.s32 @!p1 $0x0  }
0x14: {  	s2 =	sld [smem:$0x3F94];
	s0 =	simm.s32 @p1 $0x1  }
0x15: {  	[smem:$0x3FB1] =	sst s0;
	s0 =	simm.s32 @!p2 $0x0  }
0x16: {  	s3 =	sld [smem:$0x3FDB];
	s0 =	simm.s32 @p2 $0x1  }
0x17: {  	s4 =	simm.s32 $0x1BF5;
	[smem:$0x3FB3] =	sst s0  }
0x18: {  	s0 =	sld [smem:$0x3F96];
	_ =	swait.ge [sflag:s4], $0x0  }
0x19: {  	s7 =	sld [smem:$0x3F97]  }
0x1a: {  	s8 =	sadd.s32 $0xFFFFE003, lr  }
0x1b: {  	s9 =	sadd.s32 $0xFFFFFEF7, lr;
	s5 =	simm.s32 $0xFFFFFFFF;
	p2 =	slt.u32 s8, $0xFFFFF086  }
0x1c: {  	p1 =	slt.u32 s9, $0xF7A;
	s5 =	simm.s32 @!p2 $0x0  }
0x1d: {  	s5 =	simm.s32 @p1 $0x1;
	p0 =	seq.s32 s7, s2  }
0x1e: {  	s7 =	smul.u32 @!p0 $0xF7A, s2;
	p2 =	seq.s32 @!p0 s5, $0x0  }
0x1f: {  	s9 =	smul.u32 $0xF7A, s1;
	s8 =	simm.s32 @!p0 $0x1BF5;
	p2 =	por !p2, p0  }
0x20: {  	[sflag:s8] =	ssyncset.s32 @!p0 $0xFFFFF086;
	s6 =	sadd.s32 @!p0 s3, s7;
	s7 =	simm.s32 @!p0 $0x108  }
0x21: {  	s3 =	sadd.s32 s3, s9;
	s6 =	sadd.s32 @!p0 $0x88, s6;
	s7 =	simm.s32 @p2 $0x1082  }
0x22: {  	[simem:s7], [sflag:s8] =	dma.local @!p0 [hbm:s6], $0xF7A  }
0x23: {  	s9 =	sor.u32 $0xD0000000, s2;
	s6 =	simm.s32 $0x108;
	_ =	swait.ge @!p0 [sflag:s8], $0x0  }
0x24: {  	s3 =	sadd.s32 $0x88, s3;
	s6 =	simm.s32 @!p1 $0x1082;
	[sflag:s4] =	ssyncset.s32 $0xFFFFF086  }
0x25: {  	[simem:s6], [sflag:s4] =	dma.local [hbm:s3], $0xF7A  }
0x26: {  	[smem:$0x3F97] =	sst s1;
	(tag) =	ssettag s2;
	_ =	strace s9  }
0x27: {  	s1 =	sld [smem:$0x3FA7]  }
0x28: {  	s2 =	sld [smem:$0x3FA8]  }
0x29: {  	s4 =	sld [smem:$0x3FAA]  }
0x2a: {  	p0 =	seq.s32 s5, $0x0;
	s5 =	sld [smem:$0x3FAB]  }
0x2b: {  	s6 =	sld [smem:$0x3FAC]  }
0x2c: {  	s7 =	sld [smem:$0x3FAD]  }
0x2d: {  	s3 =	simm.s32 $0x108;
	s8 =	sld [smem:$0x3FAE]  }
0x2e: {  	s3 =	simm.s32 @!p0 $0x1082;
	s9 =	sld [smem:$0x3FAF]  }
0x2f: {  	lr =	sadd.s32 s0, s3;
	s0 =	sld [smem:$0x3FA6]  }
0x30: {  	s3 =	sld [smem:$0x3FA9]  }
0x31: {  	[smem:$0x3FB2] =	sst s10  }
0x32: {  	s10 =	sld [smem:$0x3FB0];
	_ =	sdelay $0x3  }
0x33: {  	p0 =	seq.s32 s10, $0x1;
	s10 =	sld [smem:$0x3FB2];
	_ =	sdelay $0x3  }
0x34: {  	[smem:$0x3FB2] =	sst s10  }
0x35: {  	s10 =	sld [smem:$0x3FB1];
	_ =	sdelay $0x3  }
0x36: {  	p1 =	seq.s32 s10, $0x1;
	s10 =	sld [smem:$0x3FB2];
	_ =	sdelay $0x3  }
0x37: {  	[smem:$0x3FB2] =	sst s10  }
0x38: {  	s10 =	sld [smem:$0x3FB3]  }
0x39: {  	_ = 	snop;
	(pc) =	sbr.ind lr, $3  }
0x3a: {  	_ = 	snop  }
0x3b: {  	_ = 	snop  }
0x3c: {  	p2 =	seq.s32 s10, $0x1;
	s10 =	sld [smem:$0x3FB2]  }
0x3d: {  	_ =	shalt  }
0x3e: {  	_ =	shalt  }
0x3f: {  	_ =	shalt  }
0x40: {  	_ =	shalt  }
0x41: {  	_ =	shalt  }
0x42: {  	_ =	shalt  }
0x43: {  	_ =	shalt  }
0x44: {  	_ =	shalt  }
0x45: {  	_ =	shalt  }
0x46: {  	_ =	shalt  }
0x47: {  	_ =	shalt  }
0x48: {  	_ =	shalt  }
0x49: {  	_ =	shalt  }
0x4a: {  	_ =	shalt  }
0x4b: {  	_ =	shalt  }
0x4c: {  	_ =	shalt  }
0x4d: {  	_ =	shalt  }
0x4e: {  	_ =	shalt  }
0x4f: {  	_ =	shalt  }
0x50: {  	_ =	shalt  }
0x51: {  	_ =	shalt  }
0x52: {  	_ =	shalt  }
0x53: {  	_ =	shalt  }
0x54: {  	_ =	shalt  }
0x55: {  	_ =	shalt  }
0x56: {  	_ =	shalt  }
0x57: {  	_ =	shalt  }
0x58: {  	_ =	shalt  }
0x59: {  	_ =	shalt  }
0x5a: {  	_ =	shalt  }
0x5b: {  	_ =	shalt  }
0x5c: {  	_ =	shalt  }
0x5d: {  	_ =	shalt  }
0x5e: {  	_ =	shalt  }
0x5f: {  	_ =	shalt  }
0x60: {  	_ =	shalt  }
0x61: {  	_ =	shalt  }
0x62: {  	_ =	shalt  }
0x63: {  	_ =	shalt  }
0x64: {  	_ =	shalt  }
0x65: {  	_ =	shalt  }
0x66: {  	_ =	shalt  }
0x67: {  	_ =	shalt  }
0x68: {  	_ =	shalt  }
0x69: {  	_ =	shalt  }
0x6a: {  	_ =	shalt  }
0x6b: {  	_ =	shalt  }
0x6c: {  	_ =	shalt  }
0x6d: {  	_ =	shalt  }
0x6e: {  	_ =	shalt  }
0x6f: {  	_ =	shalt  }
0x70: {  	_ =	shalt  }
0x71: {  	_ =	shalt  }
0x72: {  	_ =	shalt  }
0x73: {  	_ =	shalt  }
0x74: {  	_ =	shalt  }
0x75: {  	_ =	shalt  }
0x76: {  	_ =	shalt  }
0x77: {  	_ =	shalt  }
0x78: {  	_ =	shalt  }
0x79: {  	_ =	shalt  }
0x7a: {  	_ =	shalt  }
0x7b: {  	_ =	shalt  }
0x7c: {  	_ =	shalt  }
0x7d: {  	_ =	shalt  }
0x7e: {  	_ =	shalt  }
0x7f: {  	_ =	shalt  }
0x80: {  	_ =	shalt  }
0x81: {  	_ =	shalt  }
0x82: {  	_ =	shalt  }
0x83: {  	_ =	shalt  }
0x84: {  	_ =	shalt  }
0x85: {  	_ =	shalt  }
0x86: {  	_ =	shalt  }
0x87: {  	_ =	shalt  }
.Lfunc_end0:
.L_simem_size_0:
called_computation.2_lowered:
.L_overlay_start_0:
0x88: {  	s2 =	sld [smem:$0x3FD9]  }
0x89: {  	s3 =	sld [smem:$0x3FFE];
	_ =	sdelay $0x1  }
0x8a: {  	s1 =	srdreg.scid  }
0x8b: {  	s0 =	sand.u32 $0x1, s1  }
0x8c: {  	s16 =	sshll.u32 s0, $0xA;
	s2 =	sadd.s32 s3, s2  }
0x8d: {  	s2 =	sadd.s32 s2, s16  }
0x8e: {  	[smem:$0x3FBE] =	sst s2  }
0x8f: {  	_ = 	snop  }
0x90: {  	(tm) =	ssettm $0x1  }
0x91: {  	s17 =	sld [smem:$0x3FFB];
	_ =	sdelay $0x3  }
0x92: {  	_ =	strace s17  }
0x93: {  	s2 =	sld [smem:$0x3FFC];
	_ =	sdelay $0x3  }
0x94: {  	_ =	strace s2  }
0x95: {  	s2 =	sld [smem:$0x3FFD];
	_ =	sdelay $0x3  }
0x96: {  	_ =	strace s2  }
0x97: {  	_ =	strace $0x8FFFFFFF  }
0x98: {  	s18 =	sld [smem:$0x3FDB];
	_ =	sdelay $0x1  }
0x99: {  	s19 =	simm.s32 $_scs_section_size  }
0x9a: {  	s4 =	simm.s32 $_size__tile_overlayer_lowered;
	s5 =	simm.s32 $_tile_overlayer_lowered  }
0x9b: {  	s22 =	simm.s32 $0x1BFF;
	s21 =	sshll.u32 s5, $0x1;
	s2 =	sadd.s32 s19, s18  }
0x9c: {  	s6 =	simm.s32 $0x0;
	s20 =	sshll.u32 s4, $0x1;
	s4 =	sadd.s32 s21, s2  }
0x9d: {  	[timem:s6], [sflag:s22] =	dma.local [hbm:s4], s20  }
0x9e: {  	_ =	swait.ge [sflag:s22], s20  }
0x9f: {  	s3 =	ssub.s32 $0x0, s20;
	[sflag:s22] =	ssyncset.done $0x0  }
0xa0: {  	[sflag:s22] =	ssyncadd.s32 s3;
	_ =	sdelay $0x1  }
0xa1: {  	s23 =	simm.s32 $0x1B8B  }
0xa2: {  	_ =	swait.ge [sflag:s23], $0x1  }
0xa3: {  	[sflag:s23] =	ssyncset.done $0x0  }
0xa4: {  	s25 =	simm.s32 $0x1B8E;
	s24 =	sld [smem:$0x3FFE];
	[sflag:s23] =	ssyncadd.s32 $0xFFFFFFFF  }
0xa5: {  	s26 =	simm.s32 $execute0_lowered;
	[smem:$0x3FD2] =	sst s25  }
0xa6: {  	s4 =	sshll.u32 s26, $0x1;
	_ =	strace $0x8000004C;
	[dreg:$0x1] =	wrdreg $0xFFFFFFFF  }
0xa7: {  	s28 =	simm.s32 $_size_execute0_lowered;
	s2 =	sadd.s32 s2, s4;
	[dreg:$0x0] =	wrdreg $0x0  }
0xa8: {  	s4 =	sshll.u32 s28, $0x1;
	[dreg:$0x2] =	wrdreg s2  }
0xa9: {  	[dreg:$0x3] =	wrdreg s4  }
0xaa: {  	[dreg:$0x4] =	wrdreg $0xC0  }
0xab: {  	_ =	task [dreg:s6], $0x5FFFF  }
0xac: {  	[dreg:$0x1] =	wrdreg $0xFFFFFFFF  }
0xad: {  	[dreg:$0x0] =	wrdreg $0x60  }
0xae: {  	[dreg:$0x2] =	wrdreg s24  }
0xaf: {  	[dreg:$0x3] =	wrdreg $0x75300  }
0xb0: {  	[dreg:$0x4] =	wrdreg $0x9  }
0xb1: {  	_ =	task.clear_ibuf [dreg:s6], $0x5FFFF;
	_ =	strace $0x9000004C  }
0xb2: {  	s29 =	simm.s32 $0x9;
	_ =	strace $0x8000004E  }
0xb3: {  	_ =	swait.ge [sflag:s29], $0x1  }
0xb4: {  	[sflag:s29] =	ssyncadd.s32 $0xFFFFFFFF  }
0xb5: {  	_ =	strace $0x9000004E  }
0xb6: {  	_ =	sfence  }
0xb7: {  	s30 =	sld [smem:$0x0];
	_ =	sdelay $0x2  }
0xb8: {  	s31 =	sshll.u32 s1, $0xD;
	s1 =	sshrl.u32 s1, $0x2  }
0xb9: {  	s3 =	sand.u32 $0x4000, s31;
	s1 =	sadd.s32 s1, s30  }
0xba: {  	s0 =	sor.u32 s3, s0;
	s1 =	sshll.u32 s1, $0x11  }
0xbb: {  	s0 =	sor.u32 s1, s0  }
0xbc: {  	s0 =	sadd.s32 $0x8F2B, s0  }
0xbd: {  	[sflag:s0] =	ssyncadd.remote.s32 $0x1  }
0xbe: {  	_ =	sfence.sel $0xFFFF  }
0xbf: {  	[dreg:$0x0] =	wrdreg $0xFFFFFFFF;
	(pc) =	sbr.abs _section_cstart, $3  }
0xc0: {  	[dreg:$0x1] =	wrdreg $0xFFFFFFFF  }
0xc1: {  	_ =	task.clear_ibuf [dreg:s6], $0x2FFFF;
	_ =	strace $0x9FFFFFFF  }
0xc2: {  	(tm) =	ssettm $0x7FFFFFFF  }
0xc3: {  	_ =	shalt  }
tec
execute0_lowered:
.L_overlay_start_1:
0x0: {  	(tag) =	ssettag $0x1  }
0x1: {  	s0 =	rddreg [dreg:$0x0]  }
0x2: {  	s8 =	rddreg [dreg:$0x1]  }
0x3: {  	s6 =	stileid.u32;
	s3 =	simm.s32 $0x0;
	s5 =	srdreg.scid  }
0x4: {  	s28 =	simm.s32 $0x61A8;
	s29 =	simm.s32 $0x88B8;
	s30 =	simm.s32 $0x1C138  }
0x5: {  	s31 =	simm.s32 $0x1C908;
	s1 =	smul.u32 $0x2710, s6;
	[smem:$0x7FF] =	sst s3  }
0x6: {  	s2 =	smul.u32 $0x1388, s6;
	s5 =	sand.u32 $0x1, s5;
	s6 =	sshll.u32 s6, $0x1  }
0x7: {  	s20 =	sadd.s32 $0xB400, s0;
	s21 =	sadd.s32 $0x1600, s0;
	_ =	strace $0x8000004D  }
0x8: {  	s7 =	ssub.s32 $0x2, s5;
	s5 =	sor.u32 s5, s6;
	s1 =	sshrl.u32 s1, $0x3  }
0x9: {  	s4 =	sshrl.u32 s2, $0x3;
	s18 =	sshrl.u32 s7, $0x1;
	s5 =	smul.u32 $0x2710, s5  }
0xa: {  	s1 =	sadd.s32 s1, s0;
	s4 =	sadd.s32 s4, s0;
	s0 =	sadd.s32 $0x26800, s0  }
0xb: {  	s23 =	ssub.s32 s7, s18;
	s7 =	sadd.s32 s2, s8;
	s19 =	sadd.s32 $0x1A200, s1  }
0xc: {  	s1 =	sadd.s32 $0x1F020, s1;
	s6 =	sadd.s32 $0x24000, s4;
	[dreg:$0x3] =	wrdreg s19  }
0xd: {  	s22 =	sshrl.u32 s5, $0x3;
	s23 =	smax.u32 s23, $0x1;
	[dreg:$0x4] =	wrdreg s1  }
0xe: {  	s8 =	sadd.s32 s20, s22;
	s24 =	sadd.s32 $0xFA, s22;
	s9 =	sadd.s32 s21, s22  }
0xf: {  	s10 =	sadd.s32 s0, s22;
	s25 =	sadd.s32 $0x1F4, s22;
	s26 =	sadd.s32 $0x2EE, s22  }
0x10: {  	s1 =	sadd.s32 $0x3E8, s22;
	s11 =	sadd.s32 s20, s24;
	s12 =	sadd.s32 s21, s24  }
0x11: {  	v0 =	vlaneseq.u32;
	s13 =	sadd.s32 s0, s24;
	s14 =	sadd.s32 s20, s25;
	s15 =	sadd.s32 s21, s25  }
0x12: {  	v2 =	vmul.u32 $0x10, v0;
	s16 =	sadd.s32 s0, s25;
	s17 =	sadd.s32 s20, s26;
	s18 =	sadd.s32 s21, s26  }
0x13: {  	v5 =	vmul.u32 $0x8, v0;
	s19 =	sadd.s32 s0, s26;
	s20 =	sadd.s32 s20, s1;
	s21 =	sadd.s32 s21, s1  }
0x14: {  	v1 =	vadd.s32 $0x2610, v2;
	v2 =	vadd.s32 $0x2611, v2;
	s22 =	sadd.s32 s0, s1;
	s24 =	simm.s32 $0x1;
	s25 =	simm.s32 $0x2710  }
0x15: {  	v3 =	vadd.s32 $0x1308, v5;
	v4 =	vadd.s32 $0x1309, v5;
	v5 =	vadd.s32 $0x130A, v5;
	s26 =	simm.s32 $0x4E20;
	s0 =	simm.s32 $0x1D0D8;
	s1 =	simm.s32 $0x0  }
.LBB2_1:
0x16: {  	s2 =	rddreg [dreg:$0x3]  }
0x17: {  	[tilespmem:s3], [sflag:$0x1] =	stream.linear.gather [hbm4b:s2+s3], $0x2710, $0x38;
	[tilespmem:$0x1D8A8] =	vst v63  }
0x18: {  	_ =	swait.ge [sflag:s24], $0x2710  }
0x19: {  	[sflag:s24] =	ssyncset.done $0x0  }
0x1a: {  	s4 =	rddreg [dreg:$0x4];
	[sflag:s24] =	ssyncadd.s32 $0xFFFFD8F0  }
0x1b: {  	[tilespmem:s25], [sflag:$0x1] =	stream.linear.gather [hbm4b:s4+s3], $0x2710, $0x38;
	[tilespmem:$0x1D8A8] =	vst v63  }
0x1c: {  	v7 =	vadd.s32 s3, v0;
	_ =	swait.ge [sflag:s24], $0x2710  }
0x1d: {  	v6 =	vshll.u32 v7, $0x3;
	[sflag:s24] =	ssyncset.done $0x0  }
0x1e: {  	v8 =	vor.u32 $0x2, v6;
	[sflag:s24] =	ssyncadd.s32 $0xFFFFD8F0  }
0x1f: {  	[tilespmem:s26], [sflag:$0x1] =	stream.linear.gather [hbm4b:s6+s3], $0x1388, $0x38;
	[tilespmem:$0x1D8A8] =	vst v63  }
0x20: {  	_ =	swait.ge [sflag:s24], $0x1388  }
0x21: {  	[sflag:s24] =	ssyncset.done $0x0  }
0x22: {  	[sflag:s24] =	ssyncadd.s32 $0xFFFFEC78  }
0x23: {  	v8 =	vld.idx.msk [tilespmem:v8+s26+$0x0], $0xffff  }
0x24: {  	v7 =	vshll.u32 v7, $0x4;
	_ =	sdelay $0x1  }
0x25: {  	v9 =	vor.u32 $0x1, v7;
	_ =	sdelay $0x1  }
0x26: {  	(erf) = vrcp.f32 v8  }
0x27: {  	v10 =	vld.idx.msk [tilespmem:v7+s3+$0x0], $0xffff  }
0x28: {  	v8 =	vld.idx.msk [tilespmem:v7+s25+$0x0], $0xffff  }
0x29: {  	v13 =	vld.idx.msk [tilespmem:v9+s25+$0x0], $0xffff;
	v7 =	vor.u32 $0x1, v6  }
0x2a: {  	v14 =	vld.idx.msk [tilespmem:v9+s3+$0x0], $0xffff;
	_ =	sdelay $0x2  }
0x2b: {  	v15 =	vadd.f32 v8, v10;
	v10 =	vld.idx.msk [tilespmem:v6+s26+$0x0], $0xffff  }
0x2c: {  	s5 =	simm.s32 $0x10;
	v11 =	vld.idx.msk [tilespmem:v7+s26+$0x0], $0xffff  }
0x2d: {  	v9 =	vadd.s32 s5, v0;
	v13 =	vadd.f32 v13, v14;
	v12 =	vpop (erf)  }
0x2e: {  	s2 =	simm.s32 $0x20;
	v8 =	vshll.u32 v9, $0x3;
	v14 =	vmul.f32 v12, v15  }
.LBB2_2:
0x2f: {  	p0 =	sne.s32 s2, $0x260;
	v15 =	vor.u32 $0x2, v8;
	v12 =	vmul.f32 v12, v13  }
0x30: {  	v10 =	vadd.f32 v14, v10  }
0x31: {  	v11 =	vadd.f32 v12, v11  }
0x32: {  	[tilespmem:v6+s28+$0x0] =	vst.idx.msk $0xffff, v10;
	v6 =	vmov v8  }
0x33: {  	[tilespmem:v7+s28+$0x0] =	vst.idx.msk $0xffff, v11  }
0x34: {  	v7 =	vld.idx.msk [tilespmem:v15+s26+$0x0], $0xffff  }
0x35: {  	v8 =	vshll.u32 v9, $0x4;
	_ =	sdelay $0x1  }
0x36: {  	v9 =	vor.u32 $0x1, v8;
	_ =	sdelay $0x2  }
0x37: {  	v12 =	vld.idx.msk [tilespmem:v8+s25+$0x0], $0xffff;
	(erf) = vrcp.f32 v7  }
0x38: {  	v8 =	vld.idx.msk [tilespmem:v8+s3+$0x0], $0xffff  }
0x39: {  	v7 =	vor.u32 $0x1, v6;
	v13 =	vld.idx.msk [tilespmem:v9+s25+$0x0], $0xffff  }
0x3a: {  	v14 =	vld.idx.msk [tilespmem:v9+s3+$0x0], $0xffff;
	_ =	sdelay $0x2  }
.Ltmp0:
0x3b: {  	v10 =	vld.idx.msk [tilespmem:v6+s26+$0x0], $0xffff;
	(pc) =	sbr.rel @p0 .LBB2_2-.Ltmp0, $4  }
0x3c: {  	v11 =	vld.idx.msk [tilespmem:v7+s26+$0x0], $0xffff  }
0x3d: {  	v15 =	vadd.f32 v12, v8  }
0x3e: {  	v9 =	vadd.s32 s2, v0;
	v13 =	vadd.f32 v13, v14;
	v12 =	vpop (erf)  }
0x3f: {  	s2 =	sadd.s32 $0x10, s2;
	v8 =	vshll.u32 v9, $0x3;
	v14 =	vmul.f32 v12, v15  }
0x40: {  	_ = 	snop  }
0x41: {  	v15 =	vor.u32 $0x2, v8;
	v12 =	vmul.f32 v12, v13  }
0x42: {  	v10 =	vadd.f32 v14, v10  }
0x43: {  	v11 =	vadd.f32 v12, v11  }
0x44: {  	[tilespmem:v6+s28+$0x0] =	vst.idx.msk $0xffff, v10  }
0x45: {  	[tilespmem:v7+s28+$0x0] =	vst.idx.msk $0xffff, v11  }
0x46: {  	v6 =	vld.idx.msk [tilespmem:v15+s26+$0x0], $0xffff  }
0x47: {  	v7 =	vshll.u32 v9, $0x4;
	_ =	sdelay $0x1  }
0x48: {  	v9 =	vor.u32 $0x1, v7;
	_ =	sdelay $0x1  }
0x49: {  	(erf) = vrcp.f32 v6  }
0x4a: {  	v6 =	vld.idx.msk [tilespmem:v7+s25+$0x0], $0xffff  }
0x4b: {  	v7 =	vld.idx.msk [tilespmem:v7+s3+$0x0], $0xffff  }
0x4c: {  	v57 =	vor.u32 $0x1, v8;
	v10 =	vld.idx.msk [tilespmem:v9+s25+$0x0], $0xffff  }
0x4d: {  	v9 =	vld.idx.msk [tilespmem:v9+s3+$0x0], $0xffff;
	_ =	sdelay $0x2  }
0x4e: {  	v58 =	vld.idx.msk [tilespmem:v8+s26+$0x0], $0xffff  }
0x4f: {  	v59 =	vld.idx.msk [tilespmem:v57+s26+$0x0], $0xffff;
	v6 =	vadd.f32 v6, v7  }
0x50: {  	v7 =	vadd.f32 v10, v9;
	v60 =	vpop (erf)  }
0x51: {  	v6 =	vmul.f32 v60, v6  }
0x52: {  	v7 =	vmul.f32 v60, v7  }
0x53: {  	v6 =	vadd.f32 v6, v58  }
0x54: {  	v7 =	vadd.f32 v7, v59  }
0x55: {  	[tilespmem:v8+s28+$0x0] =	vst.idx.msk $0xffff, v6  }
0x56: {  	[tilespmem:v57+s28+$0x0] =	vst.idx.msk $0xffff, v7  }
0x57: {  	v6 =	vld.idx.msk [tilespmem:v5+s26+$0x0], $0xffff;
	_ =	sdelay $0x4  }
0x58: {  	(erf) = vrcp.f32 v6  }
0x59: {  	s2 =	simm.s32 $0x0;
	v7 =	vld.idx.msk [tilespmem:v1+s25+$0x0], $0xffff  }
0x5a: {  	v8 =	vld.idx.msk [tilespmem:v2+s2+$0x0], $0xffff  }
0x5b: {  	v6 =	vld.idx.msk [tilespmem:v1+s2+$0x0], $0xffff  }
0x5c: {  	v61 =	vld.idx.msk [tilespmem:v2+s25+$0x0], $0xffff;
	_ =	sdelay $0x2  }
0x5d: {  	v62 =	vld.idx.msk [tilespmem:v3+s26+$0x0], $0xffff  }
0x5e: {  	v6 =	vadd.f32 v7, v6;
	v7 =	vld.idx.msk [tilespmem:v4+s26+$0x0], $0xffff  }
0x5f: {  	v8 =	vadd.f32 v61, v8;
	v63 =	vpop (erf)  }
0x60: {  	v6 =	vmul.f32 v63, v6  }
0x61: {  	v8 =	vmul.f32 v63, v8  }
0x62: {  	v6 =	vadd.f32 v6, v62  }
0x63: {  	v7 =	vadd.f32 v8, v7  }
0x64: {  	[tilespmem:v3+s28+$0x0] =	vst.idx.msk $0xffff, v6  }
0x65: {  	[tilespmem:v4+s28+$0x0] =	vst.idx.msk $0xffff, v7  }
0x66: {  	[spmem:s7] =	stream.linear.scatter [tilespmem:s28], [sflag:$0x1], $0x1388, $0x38;
	[tilespmem:$0x1D8A8] =	vst v63  }
0x67: {  	_ =	swait.ge [sflag:s24], $0x1388  }
0x68: {  	[sflag:s24] =	ssyncset.done $0x0  }
0x69: {  	[sflag:s24] =	ssyncadd.s32 $0xFFFFEC78  }
0x6a: {  	[bflag:$0x0] =	sbarrier.arrive $0xFFFF  }
0x6b: {  	s4 =	rddreg [dreg:$0x1]  }
0x6c: {  	[tilespmem:s29], [sflag:$0x1] =	stream.linear.gather [spmem:s4], $0x13880, $0x38;
	[tilespmem:$0x1D8A8] =	vst v63  }
0x6d: {  	_ =	swait.ge [sflag:s24], $0x13880  }
0x6e: {  	[sflag:s24] =	ssyncset.done $0x0  }
0x6f: {  	[sflag:s24] =	ssyncadd.s32 $0xFFFEC780  }
0x70: {  	[tilespmem:s30], [sflag:$0x1] =	stream.linear.gather [hbm4b:s8+s2], $0x7D0, $0x38;
	[tilespmem:$0x1D8A8] =	vst v63  }
0x71: {  	_ =	swait.ge [sflag:s24], $0x7D0  }
0x72: {  	[sflag:s24] =	ssyncset.done $0x0  }
0x73: {  	[sflag:s24] =	ssyncadd.s32 $0xFFFFF830  }
0x74: {  	[tilespmem:s31], [sflag:$0x1] =	stream.linear.gather [hbm4b:s9+s2], $0x7D0, $0x38;
	[tilespmem:$0x1D8A8] =	vst v63  }
0x75: {  	_ =	swait.ge [sflag:s24], $0x7D0  }
0x76: {  	[sflag:s24] =	ssyncset.done $0x0  }
0x77: {  	s2 =	simm.s32 $0x0;
	[sflag:s24] =	ssyncadd.s32 $0xFFFFF830  }
0x78: {  	v6 =	vld [tilespmem:s2+$0x1C908]  }
0x79: {  	v7 =	vld [tilespmem:s2+$0x1C138];
	_ =	sdelay $0x4  }
0x7a: {  	v6 =	vshll.u32 v6, $0x3;
	v7 =	vshll.u32 v7, $0x3  }
0x7b: {  	v6 =	vor.u32 $0x1, v6;
	_ =	sdelay $0x3  }
0x7c: {  	v7 =	vld.idx.msk [tilespmem:v7+s29+$0x0], $0xffff  }
0x7d: {  	v6 =	vld.idx.msk [tilespmem:v6+s29+$0x0], $0xffff;
	_ =	sdelay $0x4  }
0x7e: {  	v6 =	vadd.f32 v6, v7;
	_ =	sdelay $0x1  }
0x7f: {  	v6 =	vsub.f32 $0.0e+00, v6;
	_ =	sdelay $0x1  }
0x80: {  	v6 =	vmul.f32 $1.442695020e+00, v6;
	_ =	sdelay $0x1  }
0x81: {  	(erf) = vpow2.f32 v6;
	_ =	sdelay $0x8  }
0x82: {  	v6 =	vpop (erf)  }
0x83: {  	v7 =	vadd.f32 $1.000000000e+00, v6  }
0x84: {  	s5 =	simm.s32 $0x10  }
0x85: {  	s4 =	simm.s32 $0x80;
	v6 =	vld [tilespmem:s5+$0x1C908];
	(erf) = vrcp.f32 v7  }
.LBB2_4:
0x86: {  	p0 =	sne.s32 s4, $0x1F00  }
0x87: {  	v7 =	vld [tilespmem:s5+$0x1C138];
	_ =	sdelay $0x2  }
0x88: {  	v6 =	vshll.u32 v6, $0x3  }
0x89: {  	v6 =	vor.u32 $0x1, v6  }
0x8a: {  	v7 =	vshll.u32 v7, $0x3;
	_ =	sdelay $0x1  }
0x8b: {  	v8 =	vpop (erf)  }
0x8c: {  	[tilespmem:s2+$0x1D0D8] =	vst v8;
	s2 =	smov.u32 s5  }
0x8d: {  	v6 =	vld.idx.msk [tilespmem:v6+s29+$0x0], $0xffff  }
0x8e: {  	v7 =	vld.idx.msk [tilespmem:v7+s29+$0x0], $0xffff;
	_ =	sdelay $0x5  }
0x8f: {  	v6 =	vadd.f32 v6, v7;
	_ =	sdelay $0x1  }
0x90: {  	v6 =	vsub.f32 $0.0e+00, v6;
	_ =	sdelay $0x1  }
0x91: {  	v6 =	vmul.f32 $1.442695020e+00, v6;
	_ =	sdelay $0x1  }
0x92: {  	(erf) = vpow2.f32 v6;
	_ =	sdelay $0x7  }
.Ltmp1:
0x93: {  	(pc) =	sbr.rel @p0 .LBB2_4-.Ltmp1, $4  }
0x94: {  	v6 =	vpop (erf)  }
0x95: {  	v7 =	vadd.f32 $1.000000000e+00, v6  }
0x96: {  	s5 =	sshra.s32 s4, $0x2  }
0x97: {  	s4 =	sadd.s32 $0x40, s4;
	v6 =	vld [tilespmem:s5+$0x1C908];
	(erf) = vrcp.f32 v7  }
0x98: {  	_ = 	snop  }
0x99: {  	v7 =	vld [tilespmem:s5+$0x1C138];
	_ =	sdelay $0x2  }
0x9a: {  	v6 =	vshll.u32 v6, $0x3  }
0x9b: {  	v6 =	vor.u32 $0x1, v6  }
0x9c: {  	v7 =	vshll.u32 v7, $0x3;
	_ =	sdelay $0x1  }
0x9d: {  	v8 =	vpop (erf)  }
0x9e: {  	[tilespmem:s2+$0x1D0D8] =	vst v8  }
0x9f: {  	v6 =	vld.idx.msk [tilespmem:v6+s29+$0x0], $0xffff  }
0xa0: {  	v7 =	vld.idx.msk [tilespmem:v7+s29+$0x0], $0xffff;
	_ =	sdelay $0x4  }
0xa1: {  	v6 =	vadd.f32 v6, v7;
	_ =	sdelay $0x1  }
0xa2: {  	v6 =	vsub.f32 $0.0e+00, v6;
	_ =	sdelay $0x1  }
0xa3: {  	v6 =	vmul.f32 $1.442695020e+00, v6;
	_ =	sdelay $0x1  }
0xa4: {  	(erf) = vpow2.f32 v6;
	_ =	sdelay $0x8  }
0xa5: {  	v6 =	vpop (erf)  }
0xa6: {  	v6 =	vadd.f32 $1.000000000e+00, v6;
	_ =	sdelay $0x1  }
0xa7: {  	(erf) = vrcp.f32 v6;
	_ =	sdelay $0x8  }
0xa8: {  	v6 =	vpop (erf)  }
0xa9: {  	[tilespmem:s5+$0x1D0D8] =	vst v6;
	s5 =	simm.s32 $0x0  }
0xaa: {  	[hbm4b:s10+s5] =	stream.linear.scatter [tilespmem:s0], [sflag:$0x1], $0x7D0, $0x38;
	[tilespmem:$0x1D8A8] =	vst v63  }
0xab: {  	_ =	swait.ge [sflag:s24], $0x7D0  }
0xac: {  	[sflag:s24] =	ssyncset.done $0x0  }
0xad: {  	[sflag:s24] =	ssyncadd.s32 $0xFFFFF830  }
0xae: {  	[tilespmem:s30], [sflag:$0x1] =	stream.linear.gather [hbm4b:s11+s5], $0x7D0, $0x38;
	[tilespmem:$0x1D8A8] =	vst v63  }
0xaf: {  	_ =	swait.ge [sflag:s24], $0x7D0  }
0xb0: {  	[sflag:s24] =	ssyncset.done $0x0  }
0xb1: {  	[sflag:s24] =	ssyncadd.s32 $0xFFFFF830  }
0xb2: {  	[tilespmem:s31], [sflag:$0x1] =	stream.linear.gather [hbm4b:s12+s5], $0x7D0, $0x38;
	[tilespmem:$0x1D8A8] =	vst v63  }
0xb3: {  	_ =	swait.ge [sflag:s24], $0x7D0  }
0xb4: {  	[sflag:s24] =	ssyncset.done $0x0  }
0xb5: {  	s2 =	simm.s32 $0x0;
	[sflag:s24] =	ssyncadd.s32 $0xFFFFF830  }
0xb6: {  	v6 =	vld [tilespmem:s2+$0x1C908]  }
0xb7: {  	v7 =	vld [tilespmem:s2+$0x1C138];
	_ =	sdelay $0x4  }
0xb8: {  	v6 =	vshll.u32 v6, $0x3;
	v7 =	vshll.u32 v7, $0x3  }
0xb9: {  	v6 =	vor.u32 $0x1, v6;
	_ =	sdelay $0x3  }
0xba: {  	v7 =	vld.idx.msk [tilespmem:v7+s29+$0x0], $0xffff  }
0xbb: {  	v6 =	vld.idx.msk [tilespmem:v6+s29+$0x0], $0xffff;
	_ =	sdelay $0x4  }
0xbc: {  	v6 =	vadd.f32 v6, v7;
	_ =	sdelay $0x1  }
0xbd: {  	v6 =	vsub.f32 $0.0e+00, v6;
	_ =	sdelay $0x1  }
0xbe: {  	v6 =	vmul.f32 $1.442695020e+00, v6;
	_ =	sdelay $0x1  }
0xbf: {  	(erf) = vpow2.f32 v6;
	_ =	sdelay $0x8  }
0xc0: {  	v6 =	vpop (erf)  }
0xc1: {  	v7 =	vadd.f32 $1.000000000e+00, v6  }
0xc2: {  	s5 =	simm.s32 $0x10  }
0xc3: {  	s4 =	simm.s32 $0x80;
	v6 =	vld [tilespmem:s5+$0x1C908];
	(erf) = vrcp.f32 v7  }
.LBB2_6:
0xc4: {  	p0 =	sne.s32 s4, $0x1F00  }
0xc5: {  	v7 =	vld [tilespmem:s5+$0x1C138];
	_ =	sdelay $0x2  }
0xc6: {  	v6 =	vshll.u32 v6, $0x3  }
0xc7: {  	v6 =	vor.u32 $0x1, v6  }
0xc8: {  	v7 =	vshll.u32 v7, $0x3;
	_ =	sdelay $0x1  }
0xc9: {  	v8 =	vpop (erf)  }
0xca: {  	[tilespmem:s2+$0x1D0D8] =	vst v8;
	s2 =	smov.u32 s5  }
0xcb: {  	v6 =	vld.idx.msk [tilespmem:v6+s29+$0x0], $0xffff  }
0xcc: {  	v7 =	vld.idx.msk [tilespmem:v7+s29+$0x0], $0xffff;
	_ =	sdelay $0x5  }
0xcd: {  	v6 =	vadd.f32 v6, v7;
	_ =	sdelay $0x1  }
0xce: {  	v6 =	vsub.f32 $0.0e+00, v6;
	_ =	sdelay $0x1  }
0xcf: {  	v6 =	vmul.f32 $1.442695020e+00, v6;
	_ =	sdelay $0x1  }
0xd0: {  	(erf) = vpow2.f32 v6;
	_ =	sdelay $0x7  }
.Ltmp2:
0xd1: {  	(pc) =	sbr.rel @p0 .LBB2_6-.Ltmp2, $4  }
0xd2: {  	v6 =	vpop (erf)  }
0xd3: {  	v7 =	vadd.f32 $1.000000000e+00, v6  }
0xd4: {  	s5 =	sshra.s32 s4, $0x2  }
0xd5: {  	s4 =	sadd.s32 $0x40, s4;
	v6 =	vld [tilespmem:s5+$0x1C908];
	(erf) = vrcp.f32 v7  }
0xd6: {  	_ = 	snop  }
0xd7: {  	v7 =	vld [tilespmem:s5+$0x1C138];
	_ =	sdelay $0x2  }
0xd8: {  	v6 =	vshll.u32 v6, $0x3  }
0xd9: {  	v6 =	vor.u32 $0x1, v6  }
0xda: {  	v7 =	vshll.u32 v7, $0x3;
	_ =	sdelay $0x1  }
0xdb: {  	v8 =	vpop (erf)  }
0xdc: {  	[tilespmem:s2+$0x1D0D8] =	vst v8  }
0xdd: {  	v6 =	vld.idx.msk [tilespmem:v6+s29+$0x0], $0xffff  }
0xde: {  	v7 =	vld.idx.msk [tilespmem:v7+s29+$0x0], $0xffff;
	_ =	sdelay $0x4  }
0xdf: {  	v6 =	vadd.f32 v6, v7;
	_ =	sdelay $0x1  }
0xe0: {  	v6 =	vsub.f32 $0.0e+00, v6;
	_ =	sdelay $0x1  }
0xe1: {  	v6 =	vmul.f32 $1.442695020e+00, v6;
	_ =	sdelay $0x1  }
0xe2: {  	(erf) = vpow2.f32 v6;
	_ =	sdelay $0x8  }
0xe3: {  	v6 =	vpop (erf)  }
0xe4: {  	v6 =	vadd.f32 $1.000000000e+00, v6;
	_ =	sdelay $0x1  }
0xe5: {  	(erf) = vrcp.f32 v6;
	_ =	sdelay $0x8  }
0xe6: {  	v6 =	vpop (erf)  }
0xe7: {  	[tilespmem:s5+$0x1D0D8] =	vst v6;
	s5 =	simm.s32 $0x0  }
0xe8: {  	[hbm4b:s13+s5] =	stream.linear.scatter [tilespmem:s0], [sflag:$0x1], $0x7D0, $0x38;
	[tilespmem:$0x1D8A8] =	vst v63  }
0xe9: {  	_ =	swait.ge [sflag:s24], $0x7D0  }
0xea: {  	[sflag:s24] =	ssyncset.done $0x0  }
0xeb: {  	[sflag:s24] =	ssyncadd.s32 $0xFFFFF830  }
0xec: {  	[tilespmem:s30], [sflag:$0x1] =	stream.linear.gather [hbm4b:s14+s5], $0x7D0, $0x38;
	[tilespmem:$0x1D8A8] =	vst v63  }
0xed: {  	_ =	swait.ge [sflag:s24], $0x7D0  }
0xee: {  	[sflag:s24] =	ssyncset.done $0x0  }
0xef: {  	[sflag:s24] =	ssyncadd.s32 $0xFFFFF830  }
0xf0: {  	[tilespmem:s31], [sflag:$0x1] =	stream.linear.gather [hbm4b:s15+s5], $0x7D0, $0x38;
	[tilespmem:$0x1D8A8] =	vst v63  }
0xf1: {  	_ =	swait.ge [sflag:s24], $0x7D0  }
0xf2: {  	[sflag:s24] =	ssyncset.done $0x0  }
0xf3: {  	s2 =	simm.s32 $0x0;
	[sflag:s24] =	ssyncadd.s32 $0xFFFFF830  }
0xf4: {  	v6 =	vld [tilespmem:s2+$0x1C908]  }
0xf5: {  	v7 =	vld [tilespmem:s2+$0x1C138];
	_ =	sdelay $0x4  }
0xf6: {  	v6 =	vshll.u32 v6, $0x3;
	v7 =	vshll.u32 v7, $0x3  }
0xf7: {  	v6 =	vor.u32 $0x1, v6;
	_ =	sdelay $0x3  }
0xf8: {  	v7 =	vld.idx.msk [tilespmem:v7+s29+$0x0], $0xffff  }
0xf9: {  	v6 =	vld.idx.msk [tilespmem:v6+s29+$0x0], $0xffff;
	_ =	sdelay $0x4  }
0xfa: {  	v6 =	vadd.f32 v6, v7;
	_ =	sdelay $0x1  }
0xfb: {  	v6 =	vsub.f32 $0.0e+00, v6;
	_ =	sdelay $0x1  }
0xfc: {  	v6 =	vmul.f32 $1.442695020e+00, v6;
	_ =	sdelay $0x1  }
0xfd: {  	(erf) = vpow2.f32 v6;
	_ =	sdelay $0x8  }
0xfe: {  	v6 =	vpop (erf)  }
0xff: {  	v7 =	vadd.f32 $1.000000000e+00, v6  }
0x100: {  	s5 =	simm.s32 $0x10  }
0x101: {  	s4 =	simm.s32 $0x80;
	v6 =	vld [tilespmem:s5+$0x1C908];
	(erf) = vrcp.f32 v7  }
.LBB2_8:
0x102: {  	p0 =	sne.s32 s4, $0x1F00  }
0x103: {  	v7 =	vld [tilespmem:s5+$0x1C138];
	_ =	sdelay $0x2  }
0x104: {  	v6 =	vshll.u32 v6, $0x3  }
0x105: {  	v6 =	vor.u32 $0x1, v6  }
0x106: {  	v7 =	vshll.u32 v7, $0x3;
	_ =	sdelay $0x1  }
0x107: {  	v8 =	vpop (erf)  }
0x108: {  	[tilespmem:s2+$0x1D0D8] =	vst v8;
	s2 =	smov.u32 s5  }
0x109: {  	v6 =	vld.idx.msk [tilespmem:v6+s29+$0x0], $0xffff  }
0x10a: {  	v7 =	vld.idx.msk [tilespmem:v7+s29+$0x0], $0xffff;
	_ =	sdelay $0x5  }
0x10b: {  	v6 =	vadd.f32 v6, v7;
	_ =	sdelay $0x1  }
0x10c: {  	v6 =	vsub.f32 $0.0e+00, v6;
	_ =	sdelay $0x1  }
0x10d: {  	v6 =	vmul.f32 $1.442695020e+00, v6;
	_ =	sdelay $0x1  }
0x10e: {  	(erf) = vpow2.f32 v6;
	_ =	sdelay $0x7  }
.Ltmp3:
0x10f: {  	(pc) =	sbr.rel @p0 .LBB2_8-.Ltmp3, $4  }
0x110: {  	v6 =	vpop (erf)  }
0x111: {  	v7 =	vadd.f32 $1.000000000e+00, v6  }
0x112: {  	s5 =	sshra.s32 s4, $0x2  }
0x113: {  	s4 =	sadd.s32 $0x40, s4;
	v6 =	vld [tilespmem:s5+$0x1C908];
	(erf) = vrcp.f32 v7  }
0x114: {  	_ = 	snop  }
0x115: {  	v7 =	vld [tilespmem:s5+$0x1C138];
	_ =	sdelay $0x2  }
0x116: {  	v6 =	vshll.u32 v6, $0x3  }
0x117: {  	v6 =	vor.u32 $0x1, v6  }
0x118: {  	v7 =	vshll.u32 v7, $0x3;
	_ =	sdelay $0x1  }
0x119: {  	v8 =	vpop (erf)  }
0x11a: {  	[tilespmem:s2+$0x1D0D8] =	vst v8  }
0x11b: {  	v6 =	vld.idx.msk [tilespmem:v6+s29+$0x0], $0xffff  }
0x11c: {  	v7 =	vld.idx.msk [tilespmem:v7+s29+$0x0], $0xffff;
	_ =	sdelay $0x4  }
0x11d: {  	v6 =	vadd.f32 v6, v7;
	_ =	sdelay $0x1  }
0x11e: {  	v6 =	vsub.f32 $0.0e+00, v6;
	_ =	sdelay $0x1  }
0x11f: {  	v6 =	vmul.f32 $1.442695020e+00, v6;
	_ =	sdelay $0x1  }
0x120: {  	(erf) = vpow2.f32 v6;
	_ =	sdelay $0x8  }
0x121: {  	v6 =	vpop (erf)  }
0x122: {  	v6 =	vadd.f32 $1.000000000e+00, v6;
	_ =	sdelay $0x1  }
0x123: {  	(erf) = vrcp.f32 v6;
	_ =	sdelay $0x8  }
0x124: {  	v6 =	vpop (erf)  }
0x125: {  	[tilespmem:s5+$0x1D0D8] =	vst v6;
	s5 =	simm.s32 $0x0  }
0x126: {  	[hbm4b:s16+s5] =	stream.linear.scatter [tilespmem:s0], [sflag:$0x1], $0x7D0, $0x38;
	[tilespmem:$0x1D8A8] =	vst v63  }
0x127: {  	_ =	swait.ge [sflag:s24], $0x7D0  }
0x128: {  	[sflag:s24] =	ssyncset.done $0x0  }
0x129: {  	[sflag:s24] =	ssyncadd.s32 $0xFFFFF830  }
0x12a: {  	[tilespmem:s30], [sflag:$0x1] =	stream.linear.gather [hbm4b:s17+s5], $0x7D0, $0x38;
	[tilespmem:$0x1D8A8] =	vst v63  }
0x12b: {  	_ =	swait.ge [sflag:s24], $0x7D0  }
0x12c: {  	[sflag:s24] =	ssyncset.done $0x0  }
0x12d: {  	[sflag:s24] =	ssyncadd.s32 $0xFFFFF830  }
0x12e: {  	[tilespmem:s31], [sflag:$0x1] =	stream.linear.gather [hbm4b:s18+s5], $0x7D0, $0x38;
	[tilespmem:$0x1D8A8] =	vst v63  }
0x12f: {  	_ =	swait.ge [sflag:s24], $0x7D0  }
0x130: {  	[sflag:s24] =	ssyncset.done $0x0  }
0x131: {  	s2 =	simm.s32 $0x0;
	[sflag:s24] =	ssyncadd.s32 $0xFFFFF830  }
0x132: {  	v6 =	vld [tilespmem:s2+$0x1C908]  }
0x133: {  	v7 =	vld [tilespmem:s2+$0x1C138];
	_ =	sdelay $0x4  }
0x134: {  	v6 =	vshll.u32 v6, $0x3;
	v7 =	vshll.u32 v7, $0x3  }
0x135: {  	v6 =	vor.u32 $0x1, v6;
	_ =	sdelay $0x3  }
0x136: {  	v7 =	vld.idx.msk [tilespmem:v7+s29+$0x0], $0xffff  }
0x137: {  	v6 =	vld.idx.msk [tilespmem:v6+s29+$0x0], $0xffff;
	_ =	sdelay $0x4  }
0x138: {  	v6 =	vadd.f32 v6, v7;
	_ =	sdelay $0x1  }
0x139: {  	v6 =	vsub.f32 $0.0e+00, v6;
	_ =	sdelay $0x1  }
0x13a: {  	v6 =	vmul.f32 $1.442695020e+00, v6;
	_ =	sdelay $0x1  }
0x13b: {  	(erf) = vpow2.f32 v6;
	_ =	sdelay $0x8  }
0x13c: {  	v6 =	vpop (erf)  }
0x13d: {  	v7 =	vadd.f32 $1.000000000e+00, v6  }
0x13e: {  	s5 =	simm.s32 $0x10  }
0x13f: {  	s4 =	simm.s32 $0x80;
	v6 =	vld [tilespmem:s5+$0x1C908];
	(erf) = vrcp.f32 v7  }
.LBB2_10:
0x140: {  	p0 =	sne.s32 s4, $0x1F00  }
0x141: {  	v7 =	vld [tilespmem:s5+$0x1C138];
	_ =	sdelay $0x2  }
0x142: {  	v6 =	vshll.u32 v6, $0x3  }
0x143: {  	v6 =	vor.u32 $0x1, v6  }
0x144: {  	v7 =	vshll.u32 v7, $0x3;
	_ =	sdelay $0x1  }
0x145: {  	v8 =	vpop (erf)  }
0x146: {  	[tilespmem:s2+$0x1D0D8] =	vst v8;
	s2 =	smov.u32 s5  }
0x147: {  	v6 =	vld.idx.msk [tilespmem:v6+s29+$0x0], $0xffff  }
0x148: {  	v7 =	vld.idx.msk [tilespmem:v7+s29+$0x0], $0xffff;
	_ =	sdelay $0x5  }
0x149: {  	v6 =	vadd.f32 v6, v7;
	_ =	sdelay $0x1  }
0x14a: {  	v6 =	vsub.f32 $0.0e+00, v6;
	_ =	sdelay $0x1  }
0x14b: {  	v6 =	vmul.f32 $1.442695020e+00, v6;
	_ =	sdelay $0x1  }
0x14c: {  	(erf) = vpow2.f32 v6;
	_ =	sdelay $0x7  }
.Ltmp4:
0x14d: {  	(pc) =	sbr.rel @p0 .LBB2_10-.Ltmp4, $4  }
0x14e: {  	v6 =	vpop (erf)  }
0x14f: {  	v7 =	vadd.f32 $1.000000000e+00, v6  }
0x150: {  	s5 =	sshra.s32 s4, $0x2  }
0x151: {  	s4 =	sadd.s32 $0x40, s4;
	v6 =	vld [tilespmem:s5+$0x1C908];
	(erf) = vrcp.f32 v7  }
0x152: {  	_ = 	snop  }
0x153: {  	v7 =	vld [tilespmem:s5+$0x1C138];
	_ =	sdelay $0x2  }
0x154: {  	v6 =	vshll.u32 v6, $0x3  }
0x155: {  	v6 =	vor.u32 $0x1, v6  }
0x156: {  	v7 =	vshll.u32 v7, $0x3;
	_ =	sdelay $0x1  }
0x157: {  	v8 =	vpop (erf)  }
0x158: {  	[tilespmem:s2+$0x1D0D8] =	vst v8  }
0x159: {  	v6 =	vld.idx.msk [tilespmem:v6+s29+$0x0], $0xffff  }
0x15a: {  	v7 =	vld.idx.msk [tilespmem:v7+s29+$0x0], $0xffff;
	_ =	sdelay $0x4  }
0x15b: {  	v6 =	vadd.f32 v6, v7;
	_ =	sdelay $0x1  }
0x15c: {  	v6 =	vsub.f32 $0.0e+00, v6;
	_ =	sdelay $0x1  }
0x15d: {  	v6 =	vmul.f32 $1.442695020e+00, v6;
	_ =	sdelay $0x1  }
0x15e: {  	(erf) = vpow2.f32 v6;
	_ =	sdelay $0x8  }
0x15f: {  	v6 =	vpop (erf)  }
0x160: {  	v6 =	vadd.f32 $1.000000000e+00, v6;
	_ =	sdelay $0x1  }
0x161: {  	(erf) = vrcp.f32 v6;
	_ =	sdelay $0x8  }
0x162: {  	v6 =	vpop (erf)  }
0x163: {  	[tilespmem:s5+$0x1D0D8] =	vst v6;
	s5 =	simm.s32 $0x0  }
0x164: {  	[hbm4b:s19+s5] =	stream.linear.scatter [tilespmem:s0], [sflag:$0x1], $0x7D0, $0x38;
	[tilespmem:$0x1D8A8] =	vst v63  }
0x165: {  	_ =	swait.ge [sflag:s24], $0x7D0  }
0x166: {  	[sflag:s24] =	ssyncset.done $0x0  }
0x167: {  	[sflag:s24] =	ssyncadd.s32 $0xFFFFF830  }
0x168: {  	[tilespmem:s30], [sflag:$0x1] =	stream.linear.gather [hbm4b:s20+s5], $0x7D0, $0x38;
	[tilespmem:$0x1D8A8] =	vst v63  }
0x169: {  	_ =	swait.ge [sflag:s24], $0x7D0  }
0x16a: {  	[sflag:s24] =	ssyncset.done $0x0  }
0x16b: {  	[sflag:s24] =	ssyncadd.s32 $0xFFFFF830  }
0x16c: {  	[tilespmem:s31], [sflag:$0x1] =	stream.linear.gather [hbm4b:s21+s5], $0x7D0, $0x38;
	[tilespmem:$0x1D8A8] =	vst v63  }
0x16d: {  	_ =	swait.ge [sflag:s24], $0x7D0  }
0x16e: {  	[sflag:s24] =	ssyncset.done $0x0  }
0x16f: {  	s2 =	simm.s32 $0x0;
	[sflag:s24] =	ssyncadd.s32 $0xFFFFF830  }
0x170: {  	v6 =	vld [tilespmem:s2+$0x1C908]  }
0x171: {  	v7 =	vld [tilespmem:s2+$0x1C138];
	_ =	sdelay $0x4  }
0x172: {  	v6 =	vshll.u32 v6, $0x3;
	v7 =	vshll.u32 v7, $0x3  }
0x173: {  	v6 =	vor.u32 $0x1, v6;
	_ =	sdelay $0x3  }
0x174: {  	v7 =	vld.idx.msk [tilespmem:v7+s29+$0x0], $0xffff  }
0x175: {  	v6 =	vld.idx.msk [tilespmem:v6+s29+$0x0], $0xffff;
	_ =	sdelay $0x4  }
0x176: {  	v6 =	vadd.f32 v6, v7;
	_ =	sdelay $0x1  }
0x177: {  	v6 =	vsub.f32 $0.0e+00, v6;
	_ =	sdelay $0x1  }
0x178: {  	v6 =	vmul.f32 $1.442695020e+00, v6;
	_ =	sdelay $0x1  }
0x179: {  	(erf) = vpow2.f32 v6;
	_ =	sdelay $0x8  }
0x17a: {  	v6 =	vpop (erf)  }
0x17b: {  	v7 =	vadd.f32 $1.000000000e+00, v6  }
0x17c: {  	s5 =	simm.s32 $0x10  }
0x17d: {  	s4 =	simm.s32 $0x80;
	v6 =	vld [tilespmem:s5+$0x1C908];
	(erf) = vrcp.f32 v7  }
.LBB2_12:
0x17e: {  	p0 =	sne.s32 s4, $0x1F00  }
0x17f: {  	v7 =	vld [tilespmem:s5+$0x1C138];
	_ =	sdelay $0x2  }
0x180: {  	v6 =	vshll.u32 v6, $0x3  }
0x181: {  	v6 =	vor.u32 $0x1, v6  }
0x182: {  	v7 =	vshll.u32 v7, $0x3;
	_ =	sdelay $0x1  }
0x183: {  	v8 =	vpop (erf)  }
0x184: {  	[tilespmem:s2+$0x1D0D8] =	vst v8;
	s2 =	smov.u32 s5  }
0x185: {  	v6 =	vld.idx.msk [tilespmem:v6+s29+$0x0], $0xffff  }
0x186: {  	v7 =	vld.idx.msk [tilespmem:v7+s29+$0x0], $0xffff;
	_ =	sdelay $0x5  }
0x187: {  	v6 =	vadd.f32 v6, v7;
	_ =	sdelay $0x1  }
0x188: {  	v6 =	vsub.f32 $0.0e+00, v6;
	_ =	sdelay $0x1  }
0x189: {  	v6 =	vmul.f32 $1.442695020e+00, v6;
	_ =	sdelay $0x1  }
0x18a: {  	(erf) = vpow2.f32 v6;
	_ =	sdelay $0x7  }
.Ltmp5:
0x18b: {  	(pc) =	sbr.rel @p0 .LBB2_12-.Ltmp5, $4  }
0x18c: {  	v6 =	vpop (erf)  }
0x18d: {  	v7 =	vadd.f32 $1.000000000e+00, v6  }
0x18e: {  	s5 =	sshra.s32 s4, $0x2  }
0x18f: {  	s4 =	sadd.s32 $0x40, s4;
	v6 =	vld [tilespmem:s5+$0x1C908];
	(erf) = vrcp.f32 v7  }
0x190: {  	_ = 	snop  }
0x191: {  	v7 =	vld [tilespmem:s5+$0x1C138];
	_ =	sdelay $0x2  }
0x192: {  	v6 =	vshll.u32 v6, $0x3  }
0x193: {  	v6 =	vor.u32 $0x1, v6  }
0x194: {  	v7 =	vshll.u32 v7, $0x3;
	_ =	sdelay $0x1  }
0x195: {  	v8 =	vpop (erf)  }
0x196: {  	[tilespmem:s2+$0x1D0D8] =	vst v8  }
0x197: {  	v6 =	vld.idx.msk [tilespmem:v6+s29+$0x0], $0xffff  }
0x198: {  	v7 =	vld.idx.msk [tilespmem:v7+s29+$0x0], $0xffff;
	_ =	sdelay $0x4  }
0x199: {  	v6 =	vadd.f32 v6, v7;
	_ =	sdelay $0x1  }
0x19a: {  	v6 =	vsub.f32 $0.0e+00, v6;
	_ =	sdelay $0x1  }
0x19b: {  	v6 =	vmul.f32 $1.442695020e+00, v6;
	_ =	sdelay $0x1  }
0x19c: {  	(erf) = vpow2.f32 v6;
	_ =	sdelay $0x8  }
0x19d: {  	v6 =	vpop (erf)  }
0x19e: {  	v6 =	vadd.f32 $1.000000000e+00, v6;
	_ =	sdelay $0x1  }
0x19f: {  	(erf) = vrcp.f32 v6;
	_ =	sdelay $0x7  }
0x1a0: {  	s1 =	sadd.s32 $0x1, s1  }
0x1a1: {  	p0 =	sne.s32 s1, s23;
	v6 =	vpop (erf)  }
.Ltmp6:
0x1a2: {  	[tilespmem:s5+$0x1D0D8] =	vst v6;
	(pc) =	sbr.rel @p0 .LBB2_1-.Ltmp6, $4  }
0x1a3: {  	[hbm4b:s22+s3] =	stream.linear.scatter [tilespmem:s0], [sflag:$0x1], $0x7D0, $0x38;
	[tilespmem:$0x1D8A8] =	vst v63  }
0x1a4: {  	_ =	swait.ge [sflag:s24], $0x7D0  }
0x1a5: {  	[sflag:s24] =	ssyncset.done $0x0  }
0x1a6: {  	[sflag:s24] =	ssyncadd.s32 $0xFFFFF830  }
0x1a7: {  	_ =	sfence.sel $0x180000  }
0x1a8: {  	[bflag:$0x0] =	sbarrier.arrive $0xFFFF  }
0x1a9: {  	_ =	strace $0x9000004D  }
0x1aa: {  	s0 =	stileid.u32;
	[bflag:$0x2] =	sbarrier.arrive $0xFFFF  }
0x1ab: {  	p0 =	sne.s32 s0, $0x0;
	s0 =	rddreg [dreg:$0x2]  }
0x1ac: {  	s0 =	sadd.s32 @!p0 $0x100000, s0  }
0x1ad: {  	[sflag:s0] =	ssyncadd.tile.s32 @!p0 $0x1;
	_ =	shalt  }
.Lfunc_end2:
_tile_overlayer_lowered:
.L_overlay_start_2:
0x1ae: {  	(tag) =	ssettag $0x2  }
0x1af: {  	s0 =	rddreg [dreg:$0x0];
	s2 =	stileid.u32  }
0x1b0: {  	s1 =	rddreg [dreg:$0x1];
	p0 =	sne.s32 s2, $0x0  }
0x1b1: {  	s3 =	rddreg [dreg:$0x2];
	[bflag:$0x3] =	sbarrier.arrive $0xFFFF;
	s2 =	simm.s32 @!p0 $0x1C01  }
0x1b2: {  	[timem:s3], [sflag:s2] =	dma.local @!p0 [hbm:s0], s1  }
0x1b3: {  	s0 =	simm.s32 @!p0 $0x1  }
0x1b4: {  	_ =	swait.ge @!p0 [sflag:s0], s1  }
0x1b5: {  	s1 =	ssub.s32 @!p0 $0x0, s1;
	[sflag:s0] =	ssyncset.done @!p0 $0x0  }
0x1b6: {  	[sflag:s0] =	ssyncadd.s32 @!p0 s1  }
0x1b7: {  	[bflag:$0x3] =	sbarrier.arrive $0xFFFF  }
0x1b8: {  	_ =	shalt  }

// kernel: kernel.7.cloned.1.call-start
scs
__scs_entry_jumppad:
0x0: {  	(pc) =	sbr.rel $0x88, $3  }
0x1: {  	(tag) =	ssettag $0x0;
	lr =	simm.s32 $0x1  }
0x2: {  	[smem:$0x3F97] =	sst lr;
	_ =	strace $0xD0000000  }
0x3: {  	_ = 	snop  }
0x4: {  	_ = 	snop  }
0x5: {  	_ = 	snop  }
0x6: {  	_ = 	snop  }
0x7: {  	_ = 	snop  }
__scs_overlays_trampoline_lowered:
0x8: {  	[smem:$0x3FA6] =	sst s0  }
0x9: {  	[smem:$0x3FA7] =	sst s1  }
0xa: {  	[smem:$0x3FA8] =	sst s2  }
0xb: {  	[smem:$0x3FA9] =	sst s3  }
0xc: {  	[smem:$0x3FAA] =	sst s4  }
0xd: {  	[smem:$0x3FAB] =	sst s5  }
0xe: {  	[smem:$0x3FAC] =	sst s6  }
0xf: {  	[smem:$0x3FAD] =	sst s7  }
0x10: {  	[smem:$0x3FAE] =	sst s8  }
0x11: {  	[smem:$0x3FAF] =	sst s9;
	s0 =	simm.s32 @!p0 $0x0  }
0x12: {  	s1 =	sld [smem:$0x3F95];
	s0 =	simm.s32 @p0 $0x1  }
0x13: {  	[smem:$0x3FB0] =	sst s0;
	s0 =	simm.s32 @!p1 $0x0  }
0x14: {  	s2 =	sld [smem:$0x3F94];
	s0 =	simm.s32 @p1 $0x1  }
0x15: {  	[smem:$0x3FB1] =	sst s0;
	s0 =	simm.s32 @!p2 $0x0  }
0x16: {  	s3 =	sld [smem:$0x3FDB];
	s0 =	simm.s32 @p2 $0x1  }
0x17: {  	s4 =	simm.s32 $0x1BF5;
	[smem:$0x3FB3] =	sst s0  }
0x18: {  	s0 =	sld [smem:$0x3F96];
	_ =	swait.ge [sflag:s4], $0x0  }
0x19: {  	s7 =	sld [smem:$0x3F97]  }
0x1a: {  	s8 =	sadd.s32 $0xFFFFE003, lr  }
0x1b: {  	s9 =	sadd.s32 $0xFFFFFEF7, lr;
	s5 =	simm.s32 $0xFFFFFFFF;
	p2 =	slt.u32 s8, $0xFFFFF086  }
0x1c: {  	p1 =	slt.u32 s9, $0xF7A;
	s5 =	simm.s32 @!p2 $0x0  }
0x1d: {  	s5 =	simm.s32 @p1 $0x1;
	p0 =	seq.s32 s7, s2  }
0x1e: {  	s7 =	smul.u32 @!p0 $0xF7A, s2;
	p2 =	seq.s32 @!p0 s5, $0x0  }
0x1f: {  	s9 =	smul.u32 $0xF7A, s1;
	s8 =	simm.s32 @!p0 $0x1BF5;
	p2 =	por !p2, p0  }
0x20: {  	[sflag:s8] =	ssyncset.s32 @!p0 $0xFFFFF086;
	s6 =	sadd.s32 @!p0 s3, s7;
	s7 =	simm.s32 @!p0 $0x108  }
0x21: {  	s3 =	sadd.s32 s3, s9;
	s6 =	sadd.s32 @!p0 $0x88, s6;
	s7 =	simm.s32 @p2 $0x1082  }
0x22: {  	[simem:s7], [sflag:s8] =	dma.local @!p0 [hbm:s6], $0xF7A  }
0x23: {  	s9 =	sor.u32 $0xD0000000, s2;
	s6 =	simm.s32 $0x108;
	_ =	swait.ge @!p0 [sflag:s8], $0x0  }
0x24: {  	s3 =	sadd.s32 $0x88, s3;
	s6 =	simm.s32 @!p1 $0x1082;
	[sflag:s4] =	ssyncset.s32 $0xFFFFF086  }
0x25: {  	[simem:s6], [sflag:s4] =	dma.local [hbm:s3], $0xF7A  }
0x26: {  	[smem:$0x3F97] =	sst s1;
	(tag) =	ssettag s2;
	_ =	strace s9  }
0x27: {  	s1 =	sld [smem:$0x3FA7]  }
0x28: {  	s2 =	sld [smem:$0x3FA8]  }
0x29: {  	s4 =	sld [smem:$0x3FAA]  }
0x2a: {  	p0 =	seq.s32 s5, $0x0;
	s5 =	sld [smem:$0x3FAB]  }
0x2b: {  	s6 =	sld [smem:$0x3FAC]  }
0x2c: {  	s7 =	sld [smem:$0x3FAD]  }
0x2d: {  	s3 =	simm.s32 $0x108;
	s8 =	sld [smem:$0x3FAE]  }
0x2e: {  	s3 =	simm.s32 @!p0 $0x1082;
	s9 =	sld [smem:$0x3FAF]  }
0x2f: {  	lr =	sadd.s32 s0, s3;
	s0 =	sld [smem:$0x3FA6]  }
0x30: {  	s3 =	sld [smem:$0x3FA9]  }
0x31: {  	[smem:$0x3FB2] =	sst s10  }
0x32: {  	s10 =	sld [smem:$0x3FB0];
	_ =	sdelay $0x3  }
0x33: {  	p0 =	seq.s32 s10, $0x1;
	s10 =	sld [smem:$0x3FB2];
	_ =	sdelay $0x3  }
0x34: {  	[smem:$0x3FB2] =	sst s10  }
0x35: {  	s10 =	sld [smem:$0x3FB1];
	_ =	sdelay $0x3  }
0x36: {  	p1 =	seq.s32 s10, $0x1;
	s10 =	sld [smem:$0x3FB2];
	_ =	sdelay $0x3  }
0x37: {  	[smem:$0x3FB2] =	sst s10  }
0x38: {  	s10 =	sld [smem:$0x3FB3]  }
0x39: {  	_ = 	snop;
	(pc) =	sbr.ind lr, $3  }
0x3a: {  	_ = 	snop  }
0x3b: {  	_ = 	snop  }
0x3c: {  	p2 =	seq.s32 s10, $0x1;
	s10 =	sld [smem:$0x3FB2]  }
0x3d: {  	_ =	shalt  }
0x3e: {  	_ =	shalt  }
0x3f: {  	_ =	shalt  }
0x40: {  	_ =	shalt  }
0x41: {  	_ =	shalt  }
0x42: {  	_ =	shalt  }
0x43: {  	_ =	shalt  }
0x44: {  	_ =	shalt  }
0x45: {  	_ =	shalt  }
0x46: {  	_ =	shalt  }
0x47: {  	_ =	shalt  }
0x48: {  	_ =	shalt  }
0x49: {  	_ =	shalt  }
0x4a: {  	_ =	shalt  }
0x4b: {  	_ =	shalt  }
0x4c: {  	_ =	shalt  }
0x4d: {  	_ =	shalt  }
0x4e: {  	_ =	shalt  }
0x4f: {  	_ =	shalt  }
0x50: {  	_ =	shalt  }
0x51: {  	_ =	shalt  }
0x52: {  	_ =	shalt  }
0x53: {  	_ =	shalt  }
0x54: {  	_ =	shalt  }
0x55: {  	_ =	shalt  }
0x56: {  	_ =	shalt  }
0x57: {  	_ =	shalt  }
0x58: {  	_ =	shalt  }
0x59: {  	_ =	shalt  }
0x5a: {  	_ =	shalt  }
0x5b: {  	_ =	shalt  }
0x5c: {  	_ =	shalt  }
0x5d: {  	_ =	shalt  }
0x5e: {  	_ =	shalt  }
0x5f: {  	_ =	shalt  }
0x60: {  	_ =	shalt  }
0x61: {  	_ =	shalt  }
0x62: {  	_ =	shalt  }
0x63: {  	_ =	shalt  }
0x64: {  	_ =	shalt  }
0x65: {  	_ =	shalt  }
0x66: {  	_ =	shalt  }
0x67: {  	_ =	shalt  }
0x68: {  	_ =	shalt  }
0x69: {  	_ =	shalt  }
0x6a: {  	_ =	shalt  }
0x6b: {  	_ =	shalt  }
0x6c: {  	_ =	shalt  }
0x6d: {  	_ =	shalt  }
0x6e: {  	_ =	shalt  }
0x6f: {  	_ =	shalt  }
0x70: {  	_ =	shalt  }
0x71: {  	_ =	shalt  }
0x72: {  	_ =	shalt  }
0x73: {  	_ =	shalt  }
0x74: {  	_ =	shalt  }
0x75: {  	_ =	shalt  }
0x76: {  	_ =	shalt  }
0x77: {  	_ =	shalt  }
0x78: {  	_ =	shalt  }
0x79: {  	_ =	shalt  }
0x7a: {  	_ =	shalt  }
0x7b: {  	_ =	shalt  }
0x7c: {  	_ =	shalt  }
0x7d: {  	_ =	shalt  }
0x7e: {  	_ =	shalt  }
0x7f: {  	_ =	shalt  }
0x80: {  	_ =	shalt  }
0x81: {  	_ =	shalt  }
0x82: {  	_ =	shalt  }
0x83: {  	_ =	shalt  }
0x84: {  	_ =	shalt  }
0x85: {  	_ =	shalt  }
0x86: {  	_ =	shalt  }
0x87: {  	_ =	shalt  }
.Lfunc_end0:
.L_simem_size_0:
called_computation_lowered:
.L_overlay_start_0:
0x88: {  	s2 =	sld [smem:$0x3FD9]  }
0x89: {  	s3 =	sld [smem:$0x3FFE];
	_ =	sdelay $0x1  }
0x8a: {  	s1 =	srdreg.scid  }
0x8b: {  	s0 =	sand.u32 $0x1, s1  }
0x8c: {  	s16 =	sshll.u32 s0, $0xA;
	s2 =	sadd.s32 s3, s2  }
0x8d: {  	s2 =	sadd.s32 s2, s16  }
0x8e: {  	[smem:$0x3FBE] =	sst s2  }
0x8f: {  	_ = 	snop  }
0x90: {  	(tm) =	ssettm $0x1  }
0x91: {  	s17 =	sld [smem:$0x3FFB];
	_ =	sdelay $0x3  }
0x92: {  	_ =	strace s17  }
0x93: {  	s2 =	sld [smem:$0x3FFC];
	_ =	sdelay $0x3  }
0x94: {  	_ =	strace s2  }
0x95: {  	s2 =	sld [smem:$0x3FFD];
	_ =	sdelay $0x3  }
0x96: {  	_ =	strace s2  }
0x97: {  	_ =	strace $0x8FFFFFFF  }
0x98: {  	s18 =	sld [smem:$0x3FDB];
	_ =	sdelay $0x1  }
0x99: {  	s19 =	simm.s32 $_scs_section_size  }
0x9a: {  	s4 =	simm.s32 $_size__tile_overlayer_lowered;
	s5 =	simm.s32 $_tile_overlayer_lowered  }
0x9b: {  	s22 =	simm.s32 $0x1BFF;
	s21 =	sshll.u32 s5, $0x1;
	s2 =	sadd.s32 s19, s18  }
0x9c: {  	s6 =	simm.s32 $0x0;
	s20 =	sshll.u32 s4, $0x1;
	s4 =	sadd.s32 s21, s2  }
0x9d: {  	[timem:s6], [sflag:s22] =	dma.local [hbm:s4], s20  }
0x9e: {  	_ =	swait.ge [sflag:s22], s20  }
0x9f: {  	s3 =	ssub.s32 $0x0, s20;
	[sflag:s22] =	ssyncset.done $0x0  }
0xa0: {  	[sflag:s22] =	ssyncadd.s32 s3;
	_ =	sdelay $0x1  }
0xa1: {  	s23 =	simm.s32 $0x1B8B  }
0xa2: {  	_ =	swait.ge [sflag:s23], $0x1  }
0xa3: {  	[sflag:s23] =	ssyncset.done $0x0  }
0xa4: {  	s25 =	simm.s32 $0x1B8E;
	s24 =	sld [smem:$0x3FFE];
	[sflag:s23] =	ssyncadd.s32 $0xFFFFFFFF  }
0xa5: {  	s26 =	simm.s32 $execute0_lowered;
	[smem:$0x3FD2] =	sst s25  }
0xa6: {  	s4 =	sshll.u32 s26, $0x1;
	_ =	strace $0x80000046;
	[dreg:$0x1] =	wrdreg $0xFFFFFFFF  }
0xa7: {  	s28 =	simm.s32 $_size_execute0_lowered;
	s2 =	sadd.s32 s2, s4;
	[dreg:$0x0] =	wrdreg $0x0  }
0xa8: {  	s4 =	sshll.u32 s28, $0x1;
	[dreg:$0x2] =	wrdreg s2  }
0xa9: {  	[dreg:$0x3] =	wrdreg s4  }
0xaa: {  	[dreg:$0x4] =	wrdreg $0xC0  }
0xab: {  	_ =	task [dreg:s6], $0x5FFFF  }
0xac: {  	[dreg:$0x1] =	wrdreg $0xFFFFFFFF  }
0xad: {  	[dreg:$0x0] =	wrdreg $0x60  }
0xae: {  	[dreg:$0x2] =	wrdreg s24  }
0xaf: {  	[dreg:$0x3] =	wrdreg $0x7B200  }
0xb0: {  	[dreg:$0x4] =	wrdreg $0x9  }
0xb1: {  	_ =	task.clear_ibuf [dreg:s6], $0x5FFFF;
	_ =	strace $0x90000046  }
0xb2: {  	s29 =	simm.s32 $0x9;
	_ =	strace $0x80000048  }
0xb3: {  	_ =	swait.ge [sflag:s29], $0x1  }
0xb4: {  	[sflag:s29] =	ssyncadd.s32 $0xFFFFFFFF  }
0xb5: {  	_ =	strace $0x90000048  }
0xb6: {  	_ =	sfence  }
0xb7: {  	s30 =	sld [smem:$0x0];
	_ =	sdelay $0x2  }
0xb8: {  	s31 =	sshll.u32 s1, $0xD;
	s1 =	sshrl.u32 s1, $0x2  }
0xb9: {  	s3 =	sand.u32 $0x4000, s31;
	s1 =	sadd.s32 s1, s30  }
0xba: {  	s0 =	sor.u32 s3, s0;
	s1 =	sshll.u32 s1, $0x11  }
0xbb: {  	s0 =	sor.u32 s1, s0  }
0xbc: {  	s0 =	sadd.s32 $0x8F2B, s0  }
0xbd: {  	[sflag:s0] =	ssyncadd.remote.s32 $0x1  }
0xbe: {  	_ =	sfence.sel $0xFFFF  }
0xbf: {  	[dreg:$0x0] =	wrdreg $0xFFFFFFFF;
	(pc) =	sbr.abs _section_cstart, $3  }
0xc0: {  	[dreg:$0x1] =	wrdreg $0xFFFFFFFF  }
0xc1: {  	_ =	task.clear_ibuf [dreg:s6], $0x2FFFF;
	_ =	strace $0x9FFFFFFF  }
0xc2: {  	(tm) =	ssettm $0x7FFFFFFF  }
0xc3: {  	_ =	shalt  }
tec
execute0_lowered:
.L_overlay_start_1:
0x0: {  	(tag) =	ssettag $0x1  }
0x1: {  	s1 =	srdreg.scid  }
0x2: {  	s0 =	stileid.u32;
	s6 =	rddreg [dreg:$0x0]  }
0x3: {  	s2 =	rddreg [dreg:$0x1];
	s3 =	simm.s32 $0x0;
	s14 =	simm.s32 $0x28  }
0x4: {  	s15 =	simm.s32 $0x4E20;
	s16 =	simm.s32 $0x64A0;
	s17 =	simm.s32 $0x1  }
0x5: {  	s18 =	simm.s32 $0x2;
	s19 =	simm.s32 $0x26C0;
	s20 =	simm.s32 $0x26E8  }
0x6: {  	s21 =	simm.s32 $0x4DD0;
	s22 =	simm.s32 $0x4DF8;
	s23 =	simm.s32 $0x0  }
0x7: {  	s5 =	sand.u32 $0x1, s1;
	s28 =	sshll.u32 s0, $0x1;
	s8 =	smul.u32 $0x15F90, s0  }
0x8: {  	[smem:$0x7FF] =	sst s3;
	s4 =	sadd.s32 $0x15200, s6;
	s31 =	sshll.u32 s0, $0x6  }
0x9: {  	s1 =	sor.u32 s5, s28;
	s9 =	smul.u32 $0x15F900, s5;
	s5 =	ssub.s32 $0x2, s5  }
0xa: {  	s7 =	smul.u32 $0x4E2, s1;
	s1 =	rddreg [dreg:$0x2];
	_ =	strace $0x80000047  }
0xb: {  	s30 =	sshrl.u32 s8, $0x3;
	s11 =	sshrl.u32 s5, $0x1;
	s13 =	sadd.s32 s8, s2  }
0xc: {  	s29 =	sadd.s32 s8, s9;
	s9 =	sadd.s32 s30, s6;
	s11 =	ssub.s32 s5, s11  }
0xd: {  	s10 =	sadd.s32 s7, s6;
	s7 =	sshrl.u32 s29, $0x3;
	s5 =	sadd.s32 $0x41200, s9  }
0xe: {  	s12 =	sadd.s32 s7, s6;
	s6 =	sor.u32 $0x1C03, s31;
	s7 =	sadd.s32 $0xB400, s10  }
0xf: {  	s8 =	sadd.s32 $0x1600, s10;
	s10 =	smax.u32 s11, $0x1;
	s11 =	sshrl.u32 s13, $0x3  }
0x10: {  	s13 =	simm.s32 $0x2710;
	s9 =	sadd.s32 $0x6D200, s12;
	s12 =	simm.s32 $0x3  }
.LBB2_1:
0x11: {  	[spmem:s11], [sflag:s6] =	dma.local [hbm:s5], $0x2BF2  }
0x12: {  	_ =	swait.ge [sflag:s12], $0x2BF2  }
0x13: {  	[sflag:s12] =	ssyncset.done $0x0  }
0x14: {  	[sflag:s12] =	ssyncadd.s32 $0xFFFFD40E  }
0x15: {  	[tilespmem:s3], [sflag:$0x3] =	stream.linear.gather [hbm4b:s7+s3], $0x2710, $0x38;
	[tilespmem:$0x1DAB0] =	vst v63  }
0x16: {  	_ =	swait.ge [sflag:s12], $0x2710  }
0x17: {  	[sflag:s12] =	ssyncset.done $0x0  }
0x18: {  	[sflag:s12] =	ssyncadd.s32 $0xFFFFD8F0  }
0x19: {  	[tilespmem:s13], [sflag:$0x3] =	stream.linear.gather [hbm4b:s8+s3], $0x2710, $0x38;
	[tilespmem:$0x1DAB0] =	vst v63  }
0x1a: {  	_ =	swait.ge [sflag:s12], $0x2710  }
0x1b: {  	[sflag:s12] =	ssyncset.done $0x0  }
0x1c: {  	[sflag:s12] =	ssyncadd.s32 $0xFFFFD8F0  }
0x1d: {  	[bflag:$0x0] =	sbarrier.arrive $0xFFFF  }
0x1e: {  	[tilespmem:s15], [sflag:$0x1] =	stream.indirect.gather [hbm4b:s4+s14], $0x90, s3, s14, $0xb8;
	[tilespmem:$0x1DAB0] =	vst v63  }
0x1f: {  	_ = 	snop  }
0x20: {  	[tilespmem:s16], [sflag:$0x2] =	stream.indirect.gather [hbm4b:s4+s14], $0x90, s14, s14, $0xb8;
	[tilespmem:$0x1DAB0] =	vst v63  }
0x21: {  	_ =	swait.ge [sflag:s17], $0x1680  }
0x22: {  	[sflag:s17] =	ssyncset.done $0x0  }
0x23: {  	s24 =	simm.s32 $0x2710;
	[sflag:s17] =	ssyncadd.s32 $0xFFFFE980  }
0x24: {  	[spmem:s2] =	stream.indirect.scatter.add.f32 [tilespmem:s15], [sflag:$0x3], $0x90, s24, s14, $0xb8;
	[tilespmem:$0x1DAB0] =	vst v63  }
0x25: {  	_ =	swait.ge [sflag:s12], $0x1680  }
0x26: {  	[sflag:s12] =	ssyncset.done $0x0  }
0x27: {  	s30 =	simm.s32 $0x50;
	[sflag:s12] =	ssyncadd.s32 $0xFFFFE980  }
0x28: {  	[tilespmem:s15], [sflag:$0x1] =	stream.indirect.gather [hbm4b:s4+s14], $0x90, s30, s14, $0xb8;
	[tilespmem:$0x1DAB0] =	vst v63  }
0x29: {  	_ =	swait.ge [sflag:s18], $0x1680  }
0x2a: {  	[sflag:s18] =	ssyncset.done $0x0  }
0x2b: {  	s31 =	simm.s32 $0x2738;
	[sflag:s18] =	ssyncadd.s32 $0xFFFFE980  }
0x2c: {  	[spmem:s2] =	stream.indirect.scatter.add.f32 [tilespmem:s16], [sflag:$0x3], $0x90, s31, s14, $0xb8;
	[tilespmem:$0x1DAB0] =	vst v63  }
0x2d: {  	_ =	swait.ge [sflag:s12], $0x1680  }
0x2e: {  	[sflag:s12] =	ssyncset.done $0x0  }
0x2f: {  	s25 =	simm.s32 $0x78;
	s24 =	simm.s32 $0x140;
	[sflag:s12] =	ssyncadd.s32 $0xFFFFE980  }
.LBB2_2:
0x30: {  	[tilespmem:s16], [sflag:$0x2] =	stream.indirect.gather [hbm4b:s4+s14], $0x90, s25, s14, $0xb8;
	[tilespmem:$0x1DAB0] =	vst v63  }
0x31: {  	s25 =	smov.u32 s24;
	s24 =	sadd.s32 $0x140, s24;
	_ =	swait.ge [sflag:s17], $0x1680  }
0x32: {  	s25 =	sshra.s32 s25, $0x2;
	p0 =	sne.s32 s24, $0x99C0;
	[sflag:s17] =	ssyncset.done $0x0  }
0x33: {  	s26 =	sadd.s32 $0x2710, s25;
	[sflag:s17] =	ssyncadd.s32 $0xFFFFE980  }
0x34: {  	[spmem:s2] =	stream.indirect.scatter.add.f32 [tilespmem:s15], [sflag:$0x3], $0x90, s26, s14, $0xb8;
	[tilespmem:$0x1DAB0] =	vst v63  }
0x35: {  	_ =	swait.ge [sflag:s12], $0x1680  }
0x36: {  	[sflag:s12] =	ssyncset.done $0x0  }
0x37: {  	s26 =	sadd.s32 $0x50, s25;
	[sflag:s12] =	ssyncadd.s32 $0xFFFFE980  }
0x38: {  	[tilespmem:s15], [sflag:$0x1] =	stream.indirect.gather [hbm4b:s4+s14], $0x90, s26, s14, $0xb8;
	[tilespmem:$0x1DAB0] =	vst v63  }
0x39: {  	_ =	swait.ge [sflag:s18], $0x1680  }
0x3a: {  	[sflag:s18] =	ssyncset.done $0x0  }
.Ltmp0:
0x3b: {  	s26 =	sadd.s32 $0x2738, s25;
	[sflag:s18] =	ssyncadd.s32 $0xFFFFE980;
	(pc) =	sbr.rel @p0 .LBB2_2-.Ltmp0, $4  }
0x3c: {  	[spmem:s2] =	stream.indirect.scatter.add.f32 [tilespmem:s16], [sflag:$0x3], $0x90, s26, s14, $0xb8;
	[tilespmem:$0x1DAB0] =	vst v63  }
0x3d: {  	_ =	swait.ge [sflag:s12], $0x1680  }
0x3e: {  	[sflag:s12] =	ssyncset.done $0x0  }
0x3f: {  	s25 =	sadd.s32 $0x78, s25;
	[sflag:s12] =	ssyncadd.s32 $0xFFFFE980  }
0x40: {  	[tilespmem:s16], [sflag:$0x2] =	stream.indirect.gather [hbm4b:s4+s14], $0x90, s25, s14, $0xb8;
	[tilespmem:$0x1DAB0] =	vst v63  }
0x41: {  	_ =	swait.ge [sflag:s17], $0x1680  }
0x42: {  	s24 =	sshra.s32 s24, $0x2;
	[sflag:s17] =	ssyncset.done $0x0  }
0x43: {  	s31 =	sadd.s32 $0x2710, s24;
	[sflag:s17] =	ssyncadd.s32 $0xFFFFE980  }
0x44: {  	[spmem:s2] =	stream.indirect.scatter.add.f32 [tilespmem:s15], [sflag:$0x3], $0x90, s31, s14, $0xb8;
	[tilespmem:$0x1DAB0] =	vst v63  }
0x45: {  	_ =	swait.ge [sflag:s12], $0x1680  }
0x46: {  	[sflag:s12] =	ssyncset.done $0x0  }
0x47: {  	[sflag:s12] =	ssyncadd.s32 $0xFFFFE980  }
0x48: {  	[tilespmem:s15], [sflag:$0x1] =	stream.indirect.gather [hbm4b:s4+s14], $0x90, s19, s14, $0xb8;
	[tilespmem:$0x1DAB0] =	vst v63  }
0x49: {  	_ =	swait.ge [sflag:s18], $0x1680  }
0x4a: {  	[sflag:s18] =	ssyncset.done $0x0  }
0x4b: {  	s24 =	sadd.s32 $0x2738, s24;
	[sflag:s18] =	ssyncadd.s32 $0xFFFFE980  }
0x4c: {  	[spmem:s2] =	stream.indirect.scatter.add.f32 [tilespmem:s16], [sflag:$0x3], $0x90, s24, s14, $0xb8;
	[tilespmem:$0x1DAB0] =	vst v63  }
0x4d: {  	_ =	swait.ge [sflag:s12], $0x1680  }
0x4e: {  	[sflag:s12] =	ssyncset.done $0x0  }
0x4f: {  	[sflag:s12] =	ssyncadd.s32 $0xFFFFE980  }
0x50: {  	[tilespmem:s16], [sflag:$0x2] =	stream.indirect.gather [hbm4b:s4+s14], $0x90, s20, s14, $0xb8;
	[tilespmem:$0x1DAB0] =	vst v63  }
0x51: {  	_ =	swait.ge [sflag:s17], $0x1680  }
0x52: {  	[sflag:s17] =	ssyncset.done $0x0  }
0x53: {  	[sflag:s17] =	ssyncadd.s32 $0xFFFFE980  }
0x54: {  	[spmem:s2] =	stream.indirect.scatter.add.f32 [tilespmem:s15], [sflag:$0x3], $0x90, s21, s14, $0xb8;
	[tilespmem:$0x1DAB0] =	vst v63  }
0x55: {  	_ =	swait.ge [sflag:s12], $0x1680  }
0x56: {  	[sflag:s12] =	ssyncset.done $0x0  }
0x57: {  	[sflag:s12] =	ssyncadd.s32 $0xFFFFE980  }
0x58: {  	[tilespmem:s15], [sflag:$0x1] =	stream.indirect.gather [hbm4b:s4+s14], $0x90, s20, s14, $0xb8;
	[tilespmem:$0x1DAB0] =	vst v63  }
0x59: {  	_ =	swait.ge [sflag:s18], $0x1680  }
0x5a: {  	[sflag:s18] =	ssyncset.done $0x0  }
0x5b: {  	[sflag:s18] =	ssyncadd.s32 $0xFFFFE980  }
0x5c: {  	[spmem:s2] =	stream.indirect.scatter.add.f32 [tilespmem:s16], [sflag:$0x3], $0x90, s22, s14, $0xb8;
	[tilespmem:$0x1DAB0] =	vst v63  }
0x5d: {  	_ =	swait.ge [sflag:s12], $0x1680  }
0x5e: {  	[sflag:s12] =	ssyncset.done $0x0  }
0x5f: {  	[sflag:s12] =	ssyncadd.s32 $0xFFFFE980  }
0x60: {  	[tilespmem:s16], [sflag:$0x2] =	stream.indirect.gather [hbm4b:s4+s14], $0x90, s20, s14, $0xb8;
	[tilespmem:$0x1DAB0] =	vst v63  }
0x61: {  	_ =	swait.ge [sflag:s18], $0x1680  }
0x62: {  	[sflag:s18] =	ssyncset.done $0x0  }
0x63: {  	[sflag:s18] =	ssyncadd.s32 $0xFFFFE980  }
0x64: {  	_ =	swait.ge [sflag:s17], $0x1680  }
0x65: {  	s23 =	sadd.s32 $0x1, s23;
	[sflag:s17] =	ssyncset.done $0x0  }
0x66: {  	p0 =	sne.s32 s23, s10;
	[sflag:s17] =	ssyncadd.s32 $0xFFFFE980  }
.Ltmp1:
0x67: {  	[bflag:$0x0] =	sbarrier.arrive $0xFFFF;
	(pc) =	sbr.rel @p0 .LBB2_1-.Ltmp1, $4  }
0x68: {  	[hbm:s9], [sflag:s6] =	dma.local [spmem:s11], $0x2BF2  }
0x69: {  	_ =	swait.ge [sflag:s12], $0x2BF2  }
0x6a: {  	[sflag:s12] =	ssyncset.done $0x0  }
0x6b: {  	[sflag:s12] =	ssyncadd.s32 $0xFFFFD40E  }
0x6c: {  	_ =	sfence.sel $0x180000  }
0x6d: {  	[bflag:$0x0] =	sbarrier.arrive $0xFFFF  }
0x6e: {  	p0 =	sne.s32 s0, $0x0;
	_ =	strace $0x90000047  }
0x6f: {  	s0 =	sadd.s32 @!p0 $0x100000, s1;
	[bflag:$0x2] =	sbarrier.arrive $0xFFFF  }
0x70: {  	[sflag:s0] =	ssyncadd.tile.s32 @!p0 $0x1;
	_ =	shalt  }
.Lfunc_end2:
_tile_overlayer_lowered:
.L_overlay_start_2:
0x71: {  	(tag) =	ssettag $0x2  }
0x72: {  	s0 =	rddreg [dreg:$0x0];
	s2 =	stileid.u32  }
0x73: {  	s1 =	rddreg [dreg:$0x1];
	p0 =	sne.s32 s2, $0x0  }
0x74: {  	s3 =	rddreg [dreg:$0x2];
	[bflag:$0x3] =	sbarrier.arrive $0xFFFF;
	s2 =	simm.s32 @!p0 $0x1C03  }
0x75: {  	[timem:s3], [sflag:s2] =	dma.local @!p0 [hbm:s0], s1  }
0x76: {  	s0 =	simm.s32 @!p0 $0x3  }
0x77: {  	_ =	swait.ge @!p0 [sflag:s0], s1  }
0x78: {  	s1 =	ssub.s32 @!p0 $0x0, s1;
	[sflag:s0] =	ssyncset.done @!p0 $0x0  }
0x79: {  	[sflag:s0] =	ssyncadd.s32 @!p0 s1  }
0x7a: {  	[bflag:$0x3] =	sbarrier.arrive $0xFFFF  }
0x7b: {  	_ =	shalt  }

</sc_bundles>
